<compile_context>
chip_gen: v7x
topology: tpu7x:2x2x1
jax: 0.10.2.dev20260603
libtpu: 0.0.44.dev20260713+nightly
codegen_flags: <defaults>
</compile_context>

<pallas_src>
import functools

import jax
import jax.numpy as jnp
from jax import lax
from jax.experimental import pallas as pl
from jax.experimental.pallas import tpu as pltpu
from jax.experimental.pallas import tpu_sc as plsc

_NC = 2
_NS = 16
_NW = _NC * _NS
_L = 16


@functools.cache
def _make_detile(V, D, K):
    tiles_total = V // 8
    tiles_base, tiles_extra = divmod(tiles_total, _NW)
    mesh = plsc.VectorSubcoreMesh(
        core_axis_name="c", subcore_axis_name="s",
        num_cores=_NC, num_subcores=_NS,
    )

    @functools.partial(
        pl.kernel,
        out_type=jax.ShapeDtypeStruct((V * D,), jnp.float32),
        mesh=mesh,
        scratch_types=[
            pltpu.VMEM((2, K, D), jnp.float32),
            pltpu.VMEM((2, K * D), jnp.float32),
            pltpu.SemaphoreType.DMA((2,)),
            pltpu.SemaphoreType.DMA((2,)),
        ],
        compiler_params=pltpu.CompilerParams(use_tc_tiling_on_sc=True),
    )
    def detile_kernel(tbl_hbm, out_hbm, pad_v, flat_v, isem, osem):
        wid = lax.axis_index("s") * _NC + lax.axis_index("c")
        t0 = wid * tiles_base + jnp.minimum(wid, tiles_extra)
        n_tiles = tiles_base + (wid < tiles_extra).astype(jnp.int32)
        row_lo, row_hi = t0 * 8, (t0 + n_tiles) * 8
        n_chunks = (n_tiles * 8 + K - 1) // K

        def chunk_r0(g):
            return jnp.minimum(row_lo + g * K, row_hi - K)

        def in_desc(g, b):
            return pltpu.make_async_copy(
                tbl_hbm.at[pl.ds(chunk_r0(g), K)], pad_v.at[b], isem.at[b])

        def out_desc(g, b):
            return pltpu.make_async_copy(
                flat_v.at[b], out_hbm.at[pl.ds(chunk_r0(g) * D, K * D)],
                osem.at[b])

        for b in range(2):
            @pl.when(b < n_chunks)
            def _():
                in_desc(b, b).start()

        def body(g, carry):
            b = lax.rem(g, 2)

            def run(b):
                in_desc(g, b).wait()

                @pl.when(g >= 2)
                def _():
                    out_desc(g - 2, b).wait()

                @plsc.parallel_loop(0, K, step=1)
                def _(row):
                    for half in range(D // _L):
                        v = pad_v[b, row, pl.ds(half * _L, _L)]
                        flat_v[b, pl.ds(row * D + half * _L, _L)] = v

                out_desc(g, b).start()

                @pl.when(g + 2 < n_chunks)
                def _():
                    in_desc(g + 2, b).start()

            @pl.when(b == 0)
            def _():
                run(0)

            @pl.when(b == 1)
            def _():
                run(1)

            return carry

        lax.fori_loop(0, n_chunks, body, 0)
        for b in range(2):
            @pl.when(n_chunks - 2 + b >= 0)
            def _():
                out_desc(n_chunks - 2 + b, b).wait()

    return detile_kernel


@functools.cache
def _make_gather(H, B0, V, D, N):
    C = B0 // _NW
    n_rounds = H // N
    assert H % N == 0 and B0 % _NW == 0 and C % _L == 0
    mesh = plsc.VectorSubcoreMesh(
        core_axis_name="c", subcore_axis_name="s",
        num_cores=_NC, num_subcores=_NS,
    )

    DT = D // 8
    @functools.partial(
        pl.kernel,
        out_type=jax.ShapeDtypeStruct((H, DT, (B0 // 128) * 1024),
                                      jnp.float32),
        mesh=mesh,
        scratch_types=[
            pltpu.VMEM((H, C), jnp.int32),
            pltpu.VMEM((N, C, D), jnp.float32),
            pltpu.VMEM((N, DT, 8 * C), jnp.float32),
            pltpu.SemaphoreType.DMA,
            pltpu.SemaphoreType.DMA((N,)),
            pltpu.SemaphoreType.DMA((N,)),
        ],
        compiler_params=pltpu.CompilerParams(
            use_tc_tiling_on_sc=False, needs_layout_passes=False),
    )
    def gather_kernel(xt_hbm, table_hbm, out_hbm, idx_v, rows_v, tr_v,
                      isem, gsem, ssem):
        wid = lax.axis_index("s") * _NC + lax.axis_index("c")
        col0 = wid * C

        def gather_desc(h, b):
            return pltpu.make_async_copy(
                table_hbm.at[idx_v.at[h]], rows_v.at[b], gsem.at[b])

        def store_desc(h, b):
            return pltpu.make_async_copy(
                tr_v.at[b], out_hbm.at[h, :, pl.ds(wid * (8 * C), 8 * C)],
                ssem.at[b])

        pltpu.async_copy(xt_hbm.at[:, pl.ds(col0, C)], idx_v, isem).wait()

        for b in range(N):
            gather_desc(b, b).start()

        lane = jnp.arange(_L, dtype=jnp.int32)

        def round_body(r, carry):
            h0 = r * N
            for b in range(N):
                h = h0 + b
                gather_desc(h, b).wait()
                @pl.when(r > 0)
                def _():
                    store_desc(h - N, b).wait()

                @plsc.parallel_loop(0, C, step=1)
                def _(row):
                    cvec = jnp.zeros((_L,), jnp.int32) + row
                    for half in range(D // _L):
                        d = lane + half * _L
                        v = rows_v[b, row, pl.ds(half * _L, _L)]
                        plsc.store_scatter(
                            tr_v.at[b],
                            [d // 8, (d % 8) * C + cvec], v)

                store_desc(h, b).start()
                @pl.when(h + N < H)
                def _():
                    gather_desc(h + N, b).start()
            return carry

        lax.fori_loop(0, n_rounds, round_body, 0)

        for b in range(N):
            store_desc(H - N + b, b).wait()

    return gather_kernel


def kernel(x, table):
    B0, H = x.shape
    V, D = table.shape
    xt = x.T
    out_p = _make_gather(H, B0, V, D, 4)(xt, table)
    out5 = out_p.reshape(H, D // 8, B0 // 128, 8, 128)
    return out5.transpose(2, 4, 0, 1, 3).reshape(B0, H, D)

# --- scband reference (transcript-rebuilt; emitter-appended) ---
"""Pipeline reference for scband-embedding-packable-65094524338581 (READ-ONLY COPY).

The authoritative reference and input builder live on the scoring server;
editing this copy changes nothing except your own understanding.
"""

import jax, jax.numpy as jnp
import numpy as np

VOCAB = 1000000
EMBED_DIM = 32
BATCH = 4096
HIST_LEN = 200


def setup_inputs(seed: int = 0) -> dict:
    key = jax.random.key(seed)
    k_idx, k_tab = jax.random.split(key)
    x = jax.random.randint(k_idx, (BATCH, HIST_LEN), 0, VOCAB, dtype=jnp.int64 if jax.config.jax_enable_x64 else jnp.int32)
    table = jax.random.normal(k_tab, (VOCAB, EMBED_DIM), dtype=jnp.float32)
    return {"x": x, "table": table}


def reference(x, table):
    # EmbeddingPackable with a plain (non-PackedSequence) tensor input simply
    # forwards to the wrapped nn.Embedding: a row gather from the table.
    return jnp.take(table, x, axis=0)

if __name__ == "__main__":
    import jax
    _d = setup_inputs()
    print(jax.jit(kernel)(*tuple(_d.values())))

</pallas_src>

<mosaic_0001>
#map = affine_map<(d0, d1) -> (0, 0)>
#map1 = affine_map<(d0, d1) -> (0, 0, 0)>
module attributes {stable_mosaic.version = 14 : i64} {
  func.func @gather_kernel(%arg0: i32, %arg1: i32, %arg2: memref<200x4096xi32, #tpu.memory_space<hbm>>, %arg3: memref<1000000x32xf32, #tpu.memory_space<hbm>>, %arg4: memref<200x4x32768xf32, #tpu.memory_space<hbm>>, %arg5: memref<200x128xi32, #tpu.memory_space<vmem>>, %arg6: memref<4x128x32xf32, #tpu.memory_space<vmem>>, %arg7: memref<4x4x1024xf32, #tpu.memory_space<vmem>>, %arg8: memref<!tpu.dma_semaphore, #tpu.memory_space<semaphore_mem>>, %arg9: memref<4x!tpu.dma_semaphore, #tpu.memory_space<semaphore_mem>>, %arg10: memref<4x!tpu.dma_semaphore, #tpu.memory_space<semaphore_mem>>) attributes {dimension_semantics = [#tpu.dimension_semantics<core_parallel>, #tpu.dimension_semantics<subcore_parallel>], iteration_bounds = array<i64: 2, 16>, scalar_prefetch = 0 : i64, scratch_operands = 6 : i64, tpu.core_type = #tpu.core_type<sc_vector_subcore>, window_params = [{transform_indices = #map}, {transform_indices = #map}, {transform_indices = #map1}]} {
    %mul3A = arith.constant 2 : i32
    %mul3A_0 = arith.muli %arg1, %mul3A : i32
    %add3A = arith.addi %mul3A_0, %arg0 : i32
    %mul3A_1 = arith.constant 128 : i32
    %mul3A_2 = arith.muli %add3A, %mul3A_1 : i32
    %dma_start3A = arith.constant 0 : i32
    %dma_start3A_3 = tpu.memref_slice %arg2[%dma_start3A, %mul3A_2] : memref<200x4096xi32, #tpu.memory_space<hbm>> -> memref<200x128xi32, #tpu.memory_space<hbm>>
    %dma_start3A_4 = arith.constant 0 : i32
    %dma_start3A_5 = tpu.memref_slice %arg2[%dma_start3A_4, %mul3A_2] : memref<200x4096xi32, #tpu.memory_space<hbm>> -> memref<200x128xi32, #tpu.memory_space<hbm>>
    tpu.enqueue_dma source(%dma_start3A_5 : memref<200x128xi32, #tpu.memory_space<hbm>>) target(%arg5 : memref<200x128xi32, #tpu.memory_space<vmem>>) target_semaphore(%arg8 : memref<!tpu.dma_semaphore, #tpu.memory_space<semaphore_mem>>)
    %dma_wait3A = arith.constant 0 : i32
    %dma_wait3A_6 = tpu.memref_slice %arg2[%dma_wait3A, %mul3A_2] : memref<200x4096xi32, #tpu.memory_space<hbm>> -> memref<200x128xi32, #tpu.memory_space<hbm>>
    %dma_wait3A_7 = arith.constant 0 : i32
    %dma_wait3A_8 = tpu.memref_slice %arg2[%dma_wait3A_7, %mul3A_2] : memref<200x4096xi32, #tpu.memory_space<hbm>> -> memref<200x128xi32, #tpu.memory_space<hbm>>
    tpu.wait_dma2 semaphore(%arg8 : memref<!tpu.dma_semaphore, #tpu.memory_space<semaphore_mem>>) src(%dma_wait3A_8 : memref<200x128xi32, #tpu.memory_space<hbm>>) dst(%arg5 : memref<200x128xi32, #tpu.memory_space<vmem>>)
    %dma_start3A_9 = arith.constant 0 : i32
    %dma_start3A_10 = arith.constant 0 : i32
    %dma_start3A_11 = arith.constant 0 : i32
    %dma_start3A_12 = arith.constant 0 : i32
    %dma_start3A_13 = arith.constant 0 : i32
    %dma_start3A_14 = tpu.memref_slice %arg6[%dma_start3A_10, %dma_start3A_12, %dma_start3A_13] : memref<4x128x32xf32, #tpu.memory_space<vmem>> -> memref<1x128x32xf32, #tpu.memory_space<vmem>>
    %dma_start3A_15 = tpu.memref_squeeze %dma_start3A_14 : memref<1x128x32xf32, #tpu.memory_space<vmem>> -> memref<128x32xf32, #tpu.memory_space<vmem>>
    %dma_start3A_16 = arith.constant 0 : i32
    %dma_start3A_17 = tpu.memref_slice %arg5[%dma_start3A_9, %dma_start3A_16] : memref<200x128xi32, #tpu.memory_space<vmem>> -> memref<1x128xi32, #tpu.memory_space<vmem>>
    %dma_start3A_18 = tpu.memref_squeeze %dma_start3A_17 : memref<1x128xi32, #tpu.memory_space<vmem>> -> memref<128xi32, #tpu.memory_space<vmem>>
    %dma_start3A_19 = arith.constant 0 : i32
    %dma_start3A_20 = arith.constant 0 : i32
    %dma_start3A_21 = tpu.memref_slice %arg3[%dma_start3A_19, %dma_start3A_20] : memref<1000000x32xf32, #tpu.memory_space<hbm>> -> memref<1000000x32xf32, #tpu.memory_space<hbm>>
    %dma_start3A_22 = tpu.memref_slice %arg9[%dma_start3A_11] : memref<4x!tpu.dma_semaphore, #tpu.memory_space<semaphore_mem>> -> memref<1x!tpu.dma_semaphore, #tpu.memory_space<semaphore_mem>>
    %dma_start3A_23 = tpu.memref_squeeze %dma_start3A_22 : memref<1x!tpu.dma_semaphore, #tpu.memory_space<semaphore_mem>> -> memref<!tpu.dma_semaphore, #tpu.memory_space<semaphore_mem>>
    tpu.enqueue_indirect_dma source(%dma_start3A_21 : memref<1000000x32xf32, #tpu.memory_space<hbm>>) target(%dma_start3A_15 : memref<128x32xf32, #tpu.memory_space<vmem>>) offsets(%dma_start3A_18 : memref<128xi32, #tpu.memory_space<vmem>>) semaphore(%dma_start3A_23 : memref<!tpu.dma_semaphore, #tpu.memory_space<semaphore_mem>>)
    %dma_start3A_24 = arith.constant 1 : i32
    %dma_start3A_25 = arith.constant 1 : i32
    %dma_start3A_26 = arith.constant 1 : i32
    %dma_start3A_27 = arith.constant 0 : i32
    %dma_start3A_28 = arith.constant 0 : i32
    %dma_start3A_29 = tpu.memref_slice %arg6[%dma_start3A_25, %dma_start3A_27, %dma_start3A_28] : memref<4x128x32xf32, #tpu.memory_space<vmem>> -> memref<1x128x32xf32, #tpu.memory_space<vmem>>
    %dma_start3A_30 = tpu.memref_squeeze %dma_start3A_29 : memref<1x128x32xf32, #tpu.memory_space<vmem>> -> memref<128x32xf32, #tpu.memory_space<vmem>>
    %dma_start3A_31 = arith.constant 0 : i32
    %dma_start3A_32 = tpu.memref_slice %arg5[%dma_start3A_24, %dma_start3A_31] : memref<200x128xi32, #tpu.memory_space<vmem>> -> memref<1x128xi32, #tpu.memory_space<vmem>>
    %dma_start3A_33 = tpu.memref_squeeze %dma_start3A_32 : memref<1x128xi32, #tpu.memory_space<vmem>> -> memref<128xi32, #tpu.memory_space<vmem>>
    %dma_start3A_34 = arith.constant 0 : i32
    %dma_start3A_35 = arith.constant 0 : i32
    %dma_start3A_36 = tpu.memref_slice %arg3[%dma_start3A_34, %dma_start3A_35] : memref<1000000x32xf32, #tpu.memory_space<hbm>> -> memref<1000000x32xf32, #tpu.memory_space<hbm>>
    %dma_start3A_37 = tpu.memref_slice %arg9[%dma_start3A_26] : memref<4x!tpu.dma_semaphore, #tpu.memory_space<semaphore_mem>> -> memref<1x!tpu.dma_semaphore, #tpu.memory_space<semaphore_mem>>
    %dma_start3A_38 = tpu.memref_squeeze %dma_start3A_37 : memref<1x!tpu.dma_semaphore, #tpu.memory_space<semaphore_mem>> -> memref<!tpu.dma_semaphore, #tpu.memory_space<semaphore_mem>>
    tpu.enqueue_indirect_dma source(%dma_start3A_36 : memref<1000000x32xf32, #tpu.memory_space<hbm>>) target(%dma_start3A_30 : memref<128x32xf32, #tpu.memory_space<vmem>>) offsets(%dma_start3A_33 : memref<128xi32, #tpu.memory_space<vmem>>) semaphore(%dma_start3A_38 : memref<!tpu.dma_semaphore, #tpu.memory_space<semaphore_mem>>)
    %dma_start3A_39 = arith.constant 2 : i32
    %dma_start3A_40 = arith.constant 2 : i32
    %dma_start3A_41 = arith.constant 2 : i32
    %dma_start3A_42 = arith.constant 0 : i32
    %dma_start3A_43 = arith.constant 0 : i32
    %dma_start3A_44 = tpu.memref_slice %arg6[%dma_start3A_40, %dma_start3A_42, %dma_start3A_43] : memref<4x128x32xf32, #tpu.memory_space<vmem>> -> memref<1x128x32xf32, #tpu.memory_space<vmem>>
    %dma_start3A_45 = tpu.memref_squeeze %dma_start3A_44 : memref<1x128x32xf32, #tpu.memory_space<vmem>> -> memref<128x32xf32, #tpu.memory_space<vmem>>
    %dma_start3A_46 = arith.constant 0 : i32
    %dma_start3A_47 = tpu.memref_slice %arg5[%dma_start3A_39, %dma_start3A_46] : memref<200x128xi32, #tpu.memory_space<vmem>> -> memref<1x128xi32, #tpu.memory_space<vmem>>
    %dma_start3A_48 = tpu.memref_squeeze %dma_start3A_47 : memref<1x128xi32, #tpu.memory_space<vmem>> -> memref<128xi32, #tpu.memory_space<vmem>>
    %dma_start3A_49 = arith.constant 0 : i32
    %dma_start3A_50 = arith.constant 0 : i32
    %dma_start3A_51 = tpu.memref_slice %arg3[%dma_start3A_49, %dma_start3A_50] : memref<1000000x32xf32, #tpu.memory_space<hbm>> -> memref<1000000x32xf32, #tpu.memory_space<hbm>>
    %dma_start3A_52 = tpu.memref_slice %arg9[%dma_start3A_41] : memref<4x!tpu.dma_semaphore, #tpu.memory_space<semaphore_mem>> -> memref<1x!tpu.dma_semaphore, #tpu.memory_space<semaphore_mem>>
    %dma_start3A_53 = tpu.memref_squeeze %dma_start3A_52 : memref<1x!tpu.dma_semaphore, #tpu.memory_space<semaphore_mem>> -> memref<!tpu.dma_semaphore, #tpu.memory_space<semaphore_mem>>
    tpu.enqueue_indirect_dma source(%dma_start3A_51 : memref<1000000x32xf32, #tpu.memory_space<hbm>>) target(%dma_start3A_45 : memref<128x32xf32, #tpu.memory_space<vmem>>) offsets(%dma_start3A_48 : memref<128xi32, #tpu.memory_space<vmem>>) semaphore(%dma_start3A_53 : memref<!tpu.dma_semaphore, #tpu.memory_space<semaphore_mem>>)
    %dma_start3A_54 = arith.constant 3 : i32
    %dma_start3A_55 = arith.constant 3 : i32
    %dma_start3A_56 = arith.constant 3 : i32
    %dma_start3A_57 = arith.constant 0 : i32
    %dma_start3A_58 = arith.constant 0 : i32
    %dma_start3A_59 = tpu.memref_slice %arg6[%dma_start3A_55, %dma_start3A_57, %dma_start3A_58] : memref<4x128x32xf32, #tpu.memory_space<vmem>> -> memref<1x128x32xf32, #tpu.memory_space<vmem>>
    %dma_start3A_60 = tpu.memref_squeeze %dma_start3A_59 : memref<1x128x32xf32, #tpu.memory_space<vmem>> -> memref<128x32xf32, #tpu.memory_space<vmem>>
    %dma_start3A_61 = arith.constant 0 : i32
    %dma_start3A_62 = tpu.memref_slice %arg5[%dma_start3A_54, %dma_start3A_61] : memref<200x128xi32, #tpu.memory_space<vmem>> -> memref<1x128xi32, #tpu.memory_space<vmem>>
    %dma_start3A_63 = tpu.memref_squeeze %dma_start3A_62 : memref<1x128xi32, #tpu.memory_space<vmem>> -> memref<128xi32, #tpu.memory_space<vmem>>
    %dma_start3A_64 = arith.constant 0 : i32
    %dma_start3A_65 = arith.constant 0 : i32
    %dma_start3A_66 = tpu.memref_slice %arg3[%dma_start3A_64, %dma_start3A_65] : memref<1000000x32xf32, #tpu.memory_space<hbm>> -> memref<1000000x32xf32, #tpu.memory_space<hbm>>
    %dma_start3A_67 = tpu.memref_slice %arg9[%dma_start3A_56] : memref<4x!tpu.dma_semaphore, #tpu.memory_space<semaphore_mem>> -> memref<1x!tpu.dma_semaphore, #tpu.memory_space<semaphore_mem>>
    %dma_start3A_68 = tpu.memref_squeeze %dma_start3A_67 : memref<1x!tpu.dma_semaphore, #tpu.memory_space<semaphore_mem>> -> memref<!tpu.dma_semaphore, #tpu.memory_space<semaphore_mem>>
    tpu.enqueue_indirect_dma source(%dma_start3A_66 : memref<1000000x32xf32, #tpu.memory_space<hbm>>) target(%dma_start3A_60 : memref<128x32xf32, #tpu.memory_space<vmem>>) offsets(%dma_start3A_63 : memref<128xi32, #tpu.memory_space<vmem>>) semaphore(%dma_start3A_68 : memref<!tpu.dma_semaphore, #tpu.memory_space<semaphore_mem>>)
    %iota3A = tpu.iota {dimensions = array<i32: 0>} : vector<16xi32>
    %scan3A = arith.constant 0 : i32
    %scan3A_69 = arith.constant 0 : i32
    %scan3A_70 = arith.constant 50 : i32
    %scan3A_71 = arith.addi %scan3A_69, %scan3A_70 : i32
    %scan3A_72 = arith.constant 1 : i32
    scf.for %scan3A_158 = %scan3A_69 to %scan3A_71 step %scan3A_72  : i32 {
      %mul3A_159 = arith.constant 4 : i32
      %mul3A_160 = arith.muli %scan3A_158, %mul3A_159 : i32
      %add3A_161 = arith.constant 0 : i32
      %add3A_162 = arith.addi %mul3A_160, %add3A_161 : i32
      %dma_wait3A_163 = arith.constant 0 : i32
      %dma_wait3A_164 = arith.constant 0 : i32
      %dma_wait3A_165 = arith.constant 0 : i32
      %dma_wait3A_166 = arith.constant 0 : i32
      %dma_wait3A_167 = tpu.memref_slice %arg6[%dma_wait3A_163, %dma_wait3A_165, %dma_wait3A_166] : memref<4x128x32xf32, #tpu.memory_space<vmem>> -> memref<1x128x32xf32, #tpu.memory_space<vmem>>
      %dma_wait3A_168 = tpu.memref_squeeze %dma_wait3A_167 : memref<1x128x32xf32, #tpu.memory_space<vmem>> -> memref<128x32xf32, #tpu.memory_space<vmem>>
      %dma_wait3A_169 = arith.constant 0 : i32
      %dma_wait3A_170 = tpu.memref_slice %arg5[%add3A_162, %dma_wait3A_169] : memref<200x128xi32, #tpu.memory_space<vmem>> -> memref<1x128xi32, #tpu.memory_space<vmem>>
      %dma_wait3A_171 = tpu.memref_squeeze %dma_wait3A_170 : memref<1x128xi32, #tpu.memory_space<vmem>> -> memref<128xi32, #tpu.memory_space<vmem>>
      %dma_wait3A_172 = arith.constant 0 : i32
      %dma_wait3A_173 = arith.constant 0 : i32
      %dma_wait3A_174 = tpu.memref_slice %arg3[%dma_wait3A_172, %dma_wait3A_173] : memref<1000000x32xf32, #tpu.memory_space<hbm>> -> memref<1000000x32xf32, #tpu.memory_space<hbm>>
      %dma_wait3A_175 = tpu.memref_slice %arg9[%dma_wait3A_164] : memref<4x!tpu.dma_semaphore, #tpu.memory_space<semaphore_mem>> -> memref<1x!tpu.dma_semaphore, #tpu.memory_space<semaphore_mem>>
      %dma_wait3A_176 = tpu.memref_squeeze %dma_wait3A_175 : memref<1x!tpu.dma_semaphore, #tpu.memory_space<semaphore_mem>> -> memref<!tpu.dma_semaphore, #tpu.memory_space<semaphore_mem>>
      tpu.wait_indirect_dma semaphore(%dma_wait3A_176 : memref<!tpu.dma_semaphore, #tpu.memory_space<semaphore_mem>>) src(%dma_wait3A_174 : memref<1000000x32xf32, #tpu.memory_space<hbm>>) dst(%dma_wait3A_168 : memref<128x32xf32, #tpu.memory_space<vmem>>)
      %gt3A = arith.constant 0 : i32
      %gt3A_177 = arith.cmpi sgt, %scan3A_158, %gt3A : i32
      %convert_element_type3A = arith.extui %gt3A_177 : i1 to i32
      %cond3A = arith.constant 0 : i32
      %cond3A_178 = arith.cmpi ne, %convert_element_type3A, %cond3A : i32
      scf.if %cond3A_178 {
        %sub3A = arith.constant 4 : i32
        %sub3A_360 = arith.subi %add3A_162, %sub3A : i32
        %mul3A_361 = arith.constant 1024 : i32
        %mul3A_362 = arith.muli %add3A, %mul3A_361 : i32
        %dma_wait3A_363 = arith.constant 0 : i32
        %dma_wait3A_364 = arith.constant 0 : i32
        %dma_wait3A_365 = arith.constant 0 : i32
        %dma_wait3A_366 = arith.constant 0 : i32
        %dma_wait3A_367 = tpu.memref_slice %arg7[%dma_wait3A_363, %dma_wait3A_365, %dma_wait3A_366] : memref<4x4x1024xf32, #tpu.memory_space<vmem>> -> memref<1x4x1024xf32, #tpu.memory_space<vmem>>
        %dma_wait3A_368 = tpu.memref_squeeze %dma_wait3A_367 : memref<1x4x1024xf32, #tpu.memory_space<vmem>> -> memref<4x1024xf32, #tpu.memory_space<vmem>>
        %dma_wait3A_369 = arith.constant 0 : i32
        %dma_wait3A_370 = tpu.memref_slice %arg4[%sub3A_360, %dma_wait3A_369, %mul3A_362] : memref<200x4x32768xf32, #tpu.memory_space<hbm>> -> memref<1x4x1024xf32, #tpu.memory_space<hbm>>
        %dma_wait3A_371 = tpu.memref_squeeze %dma_wait3A_370 : memref<1x4x1024xf32, #tpu.memory_space<hbm>> -> memref<4x1024xf32, #tpu.memory_space<hbm>>
        %dma_wait3A_372 = tpu.memref_slice %arg10[%dma_wait3A_364] : memref<4x!tpu.dma_semaphore, #tpu.memory_space<semaphore_mem>> -> memref<1x!tpu.dma_semaphore, #tpu.memory_space<semaphore_mem>>
        %dma_wait3A_373 = tpu.memref_squeeze %dma_wait3A_372 : memref<1x!tpu.dma_semaphore, #tpu.memory_space<semaphore_mem>> -> memref<!tpu.dma_semaphore, #tpu.memory_space<semaphore_mem>>
        %dma_wait3A_374 = arith.constant 0 : i32
        %dma_wait3A_375 = tpu.memref_slice %arg4[%sub3A_360, %dma_wait3A_374, %mul3A_362] : memref<200x4x32768xf32, #tpu.memory_space<hbm>> -> memref<1x4x1024xf32, #tpu.memory_space<hbm>>
        %dma_wait3A_376 = tpu.memref_squeeze %dma_wait3A_375 : memref<1x4x1024xf32, #tpu.memory_space<hbm>> -> memref<4x1024xf32, #tpu.memory_space<hbm>>
        %dma_wait3A_377 = arith.constant 0 : i32
        %dma_wait3A_378 = arith.constant 0 : i32
        %dma_wait3A_379 = tpu.memref_slice %arg7[%dma_wait3A_363, %dma_wait3A_377, %dma_wait3A_378] : memref<4x4x1024xf32, #tpu.memory_space<vmem>> -> memref<1x4x1024xf32, #tpu.memory_space<vmem>>
        %dma_wait3A_380 = tpu.memref_squeeze %dma_wait3A_379 : memref<1x4x1024xf32, #tpu.memory_space<vmem>> -> memref<4x1024xf32, #tpu.memory_space<vmem>>
        tpu.wait_dma2 semaphore(%dma_wait3A_373 : memref<!tpu.dma_semaphore, #tpu.memory_space<semaphore_mem>>) src(%dma_wait3A_380 : memref<4x1024xf32, #tpu.memory_space<vmem>>) dst(%dma_wait3A_376 : memref<4x1024xf32, #tpu.memory_space<hbm>>)
      } else {
      }
      %parallel_loop3A = arith.constant 0 : i32
      %parallel_loop3A_179 = arith.constant 128 : i32
      %parallel_loop3A_180 = arith.constant 1 : i32
      scf.for %parallel_loop3A_360 = %parallel_loop3A to %parallel_loop3A_179 step %parallel_loop3A_180  : i32 {
        %parallel_loop3A_361 = arith.constant 0 : i32
        %parallel_loop3A_362 = vector.broadcast %parallel_loop3A_361 : i32 to vector<16xi32>
        %parallel_loop3A_363 = vector.broadcast %parallel_loop3A_360 : i32 to vector<16xi32>
        %parallel_loop3A_364 = arith.addi %parallel_loop3A_362, %parallel_loop3A_363 : vector<16xi32>
        %parallel_loop3A_365 = arith.constant 0 : i32
        %parallel_loop3A_366 = vector.broadcast %parallel_loop3A_365 : i32 to vector<16xi32>
        %parallel_loop3A_367 = arith.addi %iota3A, %parallel_loop3A_366 : vector<16xi32>
        %parallel_loop3A_368 = arith.constant 0 : i32
        %parallel_loop3A_369 = arith.index_cast %parallel_loop3A_368 : i32 to index
        %parallel_loop3A_370 = arith.index_cast %parallel_loop3A_360 : i32 to index
        %parallel_loop3A_371 = arith.constant 0 : index
        %parallel_loop3A_372 = tpu.vector_load %arg6[%parallel_loop3A_369, %parallel_loop3A_370, %parallel_loop3A_371] {strides = array<i32>} : memref<4x128x32xf32, #tpu.memory_space<vmem>>, vector<16xf32>,
        %parallel_loop3A_373 = arith.constant 8 : i32
        %parallel_loop3A_374 = vector.broadcast %parallel_loop3A_373 : i32 to vector<16xi32>
        %parallel_loop3A_375 = arith.divsi %parallel_loop3A_367, %parallel_loop3A_374 : vector<16xi32>
        %parallel_loop3A_376 = arith.constant 0 : i32
        %parallel_loop3A_377 = vector.broadcast %parallel_loop3A_376 : i32 to vector<16xi32>
        %parallel_loop3A_378 = arith.cmpi sgt, %parallel_loop3A_367, %parallel_loop3A_377 : vector<16xi32>
        %parallel_loop3A_379 = arith.extui %parallel_loop3A_378 : vector<16xi1> to vector<16xi32>
        %parallel_loop3A_380 = arith.constant 0 : i32
        %parallel_loop3A_381 = vector.broadcast %parallel_loop3A_380 : i32 to vector<16xi32>
        %parallel_loop3A_382 = arith.cmpi slt, %parallel_loop3A_367, %parallel_loop3A_381 : vector<16xi32>
        %parallel_loop3A_383 = arith.extui %parallel_loop3A_382 : vector<16xi1> to vector<16xi32>
        %parallel_loop3A_384 = arith.subi %parallel_loop3A_379, %parallel_loop3A_383 : vector<16xi32>
        %parallel_loop3A_385 = arith.constant 0 : i32
        %parallel_loop3A_386 = arith.cmpi sgt, %parallel_loop3A_373, %parallel_loop3A_385 : i32
        %parallel_loop3A_387 = arith.extui %parallel_loop3A_386 : i1 to i32
        %parallel_loop3A_388 = arith.constant 0 : i32
        %parallel_loop3A_389 = arith.cmpi slt, %parallel_loop3A_373, %parallel_loop3A_388 : i32
        %parallel_loop3A_390 = arith.extui %parallel_loop3A_389 : i1 to i32
        %parallel_loop3A_391 = arith.subi %parallel_loop3A_387, %parallel_loop3A_390 : i32
        %parallel_loop3A_392 = vector.broadcast %parallel_loop3A_391 : i32 to vector<16xi32>
        %parallel_loop3A_393 = arith.cmpi ne, %parallel_loop3A_384, %parallel_loop3A_392 : vector<16xi32>
        %parallel_loop3A_394 = vector.broadcast %parallel_loop3A_373 : i32 to vector<16xi32>
        %parallel_loop3A_395 = arith.remsi %parallel_loop3A_367, %parallel_loop3A_394 : vector<16xi32>
        %parallel_loop3A_396 = arith.constant 0 : i32
        %parallel_loop3A_397 = vector.broadcast %parallel_loop3A_396 : i32 to vector<16xi32>
        %parallel_loop3A_398 = arith.cmpi ne, %parallel_loop3A_395, %parallel_loop3A_397 : vector<16xi32>
        %parallel_loop3A_399 = arith.andi %parallel_loop3A_393, %parallel_loop3A_398 : vector<16xi1>
        %parallel_loop3A_400 = arith.constant 1 : i32
        %parallel_loop3A_401 = vector.broadcast %parallel_loop3A_400 : i32 to vector<16xi32>
        %parallel_loop3A_402 = arith.subi %parallel_loop3A_375, %parallel_loop3A_401 : vector<16xi32>
        %parallel_loop3A_403 = arith.select %parallel_loop3A_399, %parallel_loop3A_402, %parallel_loop3A_375 : vector<16xi1>, vector<16xi32>
        %parallel_loop3A_404 = arith.constant 8 : i32
        %parallel_loop3A_405 = arith.constant 0 : i32
        %parallel_loop3A_406 = arith.cmpi eq, %parallel_loop3A_404, %parallel_loop3A_405 : i32
        %parallel_loop3A_407 = arith.constant 1 : i32
        %parallel_loop3A_408 = arith.select %parallel_loop3A_406, %parallel_loop3A_407, %parallel_loop3A_404 : i32
        %parallel_loop3A_409 = vector.broadcast %parallel_loop3A_408 : i32 to vector<16xi32>
        %parallel_loop3A_410 = arith.remsi %parallel_loop3A_367, %parallel_loop3A_409 : vector<16xi32>
        %parallel_loop3A_411 = arith.constant 0 : i32
        %parallel_loop3A_412 = vector.broadcast %parallel_loop3A_411 : i32 to vector<16xi32>
        %parallel_loop3A_413 = arith.cmpi ne, %parallel_loop3A_410, %parallel_loop3A_412 : vector<16xi32>
        %parallel_loop3A_414 = arith.constant 0 : i32
        %parallel_loop3A_415 = vector.broadcast %parallel_loop3A_414 : i32 to vector<16xi32>
        %parallel_loop3A_416 = arith.cmpi slt, %parallel_loop3A_410, %parallel_loop3A_415 : vector<16xi32>
        %parallel_loop3A_417 = arith.constant 0 : i32
        %parallel_loop3A_418 = arith.cmpi slt, %parallel_loop3A_408, %parallel_loop3A_417 : i32
        %parallel_loop3A_419 = vector.broadcast %parallel_loop3A_418 : i1 to vector<16xi1>
        %parallel_loop3A_420 = vector.broadcast %parallel_loop3A_419 : vector<16xi1> to vector<16xi1>
        %parallel_loop3A_421 = arith.xori %parallel_loop3A_416, %parallel_loop3A_420 : vector<16xi1>
        %parallel_loop3A_422 = arith.andi %parallel_loop3A_421, %parallel_loop3A_413 : vector<16xi1>
        %parallel_loop3A_423 = vector.broadcast %parallel_loop3A_408 : i32 to vector<16xi32>
        %parallel_loop3A_424 = arith.addi %parallel_loop3A_410, %parallel_loop3A_423 : vector<16xi32>
        %parallel_loop3A_425 = arith.select %parallel_loop3A_422, %parallel_loop3A_424, %parallel_loop3A_410 : vector<16xi1>, vector<16xi32>
        %parallel_loop3A_426 = arith.constant 128 : i32
        %parallel_loop3A_427 = vector.broadcast %parallel_loop3A_426 : i32 to vector<16xi32>
        %parallel_loop3A_428 = arith.muli %parallel_loop3A_425, %parallel_loop3A_427 : vector<16xi32>
        %parallel_loop3A_429 = arith.addi %parallel_loop3A_428, %parallel_loop3A_364 : vector<16xi32>
        %parallel_loop3A_430 = arith.constant 0 : i32
        %parallel_loop3A_431 = arith.constant 0 : i32
        %parallel_loop3A_432 = arith.constant 0 : i32
        %parallel_loop3A_433 = tpu.memref_slice %arg7[%parallel_loop3A_430, %parallel_loop3A_431, %parallel_loop3A_432] : memref<4x4x1024xf32, #tpu.memory_space<vmem>> -> memref<1x4x1024xf32, #tpu.memory_space<vmem>>
        %parallel_loop3A_434 = tpu.memref_squeeze %parallel_loop3A_433 : memref<1x4x1024xf32, #tpu.memory_space<vmem>> -> memref<4x1024xf32, #tpu.memory_space<vmem>>
        tpu.vector_store_idx %parallel_loop3A_434[%parallel_loop3A_403, %parallel_loop3A_429], %parallel_loop3A_372 : memref<4x1024xf32, #tpu.memory_space<vmem>>[vector<16xi32>, vector<16xi32>], vector<16xf32>,
        %parallel_loop3A_435 = arith.constant 16 : i32
        %parallel_loop3A_436 = vector.broadcast %parallel_loop3A_435 : i32 to vector<16xi32>
        %parallel_loop3A_437 = arith.addi %iota3A, %parallel_loop3A_436 : vector<16xi32>
        %parallel_loop3A_438 = arith.constant 0 : i32
        %parallel_loop3A_439 = arith.index_cast %parallel_loop3A_438 : i32 to index
        %parallel_loop3A_440 = arith.index_cast %parallel_loop3A_360 : i32 to index
        %parallel_loop3A_441 = arith.constant 16 : index
        %parallel_loop3A_442 = tpu.vector_load %arg6[%parallel_loop3A_439, %parallel_loop3A_440, %parallel_loop3A_441] {strides = array<i32>} : memref<4x128x32xf32, #tpu.memory_space<vmem>>, vector<16xf32>,
        %parallel_loop3A_443 = arith.constant 8 : i32
        %parallel_loop3A_444 = vector.broadcast %parallel_loop3A_443 : i32 to vector<16xi32>
        %parallel_loop3A_445 = arith.divsi %parallel_loop3A_437, %parallel_loop3A_444 : vector<16xi32>
        %parallel_loop3A_446 = arith.constant 0 : i32
        %parallel_loop3A_447 = vector.broadcast %parallel_loop3A_446 : i32 to vector<16xi32>
        %parallel_loop3A_448 = arith.cmpi sgt, %parallel_loop3A_437, %parallel_loop3A_447 : vector<16xi32>
        %parallel_loop3A_449 = arith.extui %parallel_loop3A_448 : vector<16xi1> to vector<16xi32>
        %parallel_loop3A_450 = arith.constant 0 : i32
        %parallel_loop3A_451 = vector.broadcast %parallel_loop3A_450 : i32 to vector<16xi32>
        %parallel_loop3A_452 = arith.cmpi slt, %parallel_loop3A_437, %parallel_loop3A_451 : vector<16xi32>
        %parallel_loop3A_453 = arith.extui %parallel_loop3A_452 : vector<16xi1> to vector<16xi32>
        %parallel_loop3A_454 = arith.subi %parallel_loop3A_449, %parallel_loop3A_453 : vector<16xi32>
        %parallel_loop3A_455 = arith.constant 0 : i32
        %parallel_loop3A_456 = arith.cmpi sgt, %parallel_loop3A_443, %parallel_loop3A_455 : i32
        %parallel_loop3A_457 = arith.extui %parallel_loop3A_456 : i1 to i32
        %parallel_loop3A_458 = arith.constant 0 : i32
        %parallel_loop3A_459 = arith.cmpi slt, %parallel_loop3A_443, %parallel_loop3A_458 : i32
        %parallel_loop3A_460 = arith.extui %parallel_loop3A_459 : i1 to i32
        %parallel_loop3A_461 = arith.subi %parallel_loop3A_457, %parallel_loop3A_460 : i32
        %parallel_loop3A_462 = vector.broadcast %parallel_loop3A_461 : i32 to vector<16xi32>
        %parallel_loop3A_463 = arith.cmpi ne, %parallel_loop3A_454, %parallel_loop3A_462 : vector<16xi32>
        %parallel_loop3A_464 = vector.broadcast %parallel_loop3A_443 : i32 to vector<16xi32>
        %parallel_loop3A_465 = arith.remsi %parallel_loop3A_437, %parallel_loop3A_464 : vector<16xi32>
        %parallel_loop3A_466 = arith.constant 0 : i32
        %parallel_loop3A_467 = vector.broadcast %parallel_loop3A_466 : i32 to vector<16xi32>
        %parallel_loop3A_468 = arith.cmpi ne, %parallel_loop3A_465, %parallel_loop3A_467 : vector<16xi32>
        %parallel_loop3A_469 = arith.andi %parallel_loop3A_463, %parallel_loop3A_468 : vector<16xi1>
        %parallel_loop3A_470 = arith.constant 1 : i32
        %parallel_loop3A_471 = vector.broadcast %parallel_loop3A_470 : i32 to vector<16xi32>
        %parallel_loop3A_472 = arith.subi %parallel_loop3A_445, %parallel_loop3A_471 : vector<16xi32>
        %parallel_loop3A_473 = arith.select %parallel_loop3A_469, %parallel_loop3A_472, %parallel_loop3A_445 : vector<16xi1>, vector<16xi32>
        %parallel_loop3A_474 = arith.constant 8 : i32
        %parallel_loop3A_475 = arith.constant 0 : i32
        %parallel_loop3A_476 = arith.cmpi eq, %parallel_loop3A_474, %parallel_loop3A_475 : i32
        %parallel_loop3A_477 = arith.constant 1 : i32
        %parallel_loop3A_478 = arith.select %parallel_loop3A_476, %parallel_loop3A_477, %parallel_loop3A_474 : i32
        %parallel_loop3A_479 = vector.broadcast %parallel_loop3A_478 : i32 to vector<16xi32>
        %parallel_loop3A_480 = arith.remsi %parallel_loop3A_437, %parallel_loop3A_479 : vector<16xi32>
        %parallel_loop3A_481 = arith.constant 0 : i32
        %parallel_loop3A_482 = vector.broadcast %parallel_loop3A_481 : i32 to vector<16xi32>
        %parallel_loop3A_483 = arith.cmpi ne, %parallel_loop3A_480, %parallel_loop3A_482 : vector<16xi32>
        %parallel_loop3A_484 = arith.constant 0 : i32
        %parallel_loop3A_485 = vector.broadcast %parallel_loop3A_484 : i32 to vector<16xi32>
        %parallel_loop3A_486 = arith.cmpi slt, %parallel_loop3A_480, %parallel_loop3A_485 : vector<16xi32>
        %parallel_loop3A_487 = arith.constant 0 : i32
        %parallel_loop3A_488 = arith.cmpi slt, %parallel_loop3A_478, %parallel_loop3A_487 : i32
        %parallel_loop3A_489 = vector.broadcast %parallel_loop3A_488 : i1 to vector<16xi1>
        %parallel_loop3A_490 = vector.broadcast %parallel_loop3A_489 : vector<16xi1> to vector<16xi1>
        %parallel_loop3A_491 = arith.xori %parallel_loop3A_486, %parallel_loop3A_490 : vector<16xi1>
        %parallel_loop3A_492 = arith.andi %parallel_loop3A_491, %parallel_loop3A_483 : vector<16xi1>
        %parallel_loop3A_493 = vector.broadcast %parallel_loop3A_478 : i32 to vector<16xi32>
        %parallel_loop3A_494 = arith.addi %parallel_loop3A_480, %parallel_loop3A_493 : vector<16xi32>
        %parallel_loop3A_495 = arith.select %parallel_loop3A_492, %parallel_loop3A_494, %parallel_loop3A_480 : vector<16xi1>, vector<16xi32>
        %parallel_loop3A_496 = arith.constant 128 : i32
        %parallel_loop3A_497 = vector.broadcast %parallel_loop3A_496 : i32 to vector<16xi32>
        %parallel_loop3A_498 = arith.muli %parallel_loop3A_495, %parallel_loop3A_497 : vector<16xi32>
        %parallel_loop3A_499 = arith.addi %parallel_loop3A_498, %parallel_loop3A_364 : vector<16xi32>
        %parallel_loop3A_500 = arith.constant 0 : i32
        %parallel_loop3A_501 = arith.constant 0 : i32
        %parallel_loop3A_502 = arith.constant 0 : i32
        %parallel_loop3A_503 = tpu.memref_slice %arg7[%parallel_loop3A_500, %parallel_loop3A_501, %parallel_loop3A_502] : memref<4x4x1024xf32, #tpu.memory_space<vmem>> -> memref<1x4x1024xf32, #tpu.memory_space<vmem>>
        %parallel_loop3A_504 = tpu.memref_squeeze %parallel_loop3A_503 : memref<1x4x1024xf32, #tpu.memory_space<vmem>> -> memref<4x1024xf32, #tpu.memory_space<vmem>>
        tpu.vector_store_idx %parallel_loop3A_504[%parallel_loop3A_473, %parallel_loop3A_499], %parallel_loop3A_442 : memref<4x1024xf32, #tpu.memory_space<vmem>>[vector<16xi32>, vector<16xi32>], vector<16xf32>,
      } {sc.loop_unroll_factor = 1 : i64, sc.parallel_access}
      %mul3A_181 = arith.constant 1024 : i32
      %mul3A_182 = arith.muli %add3A, %mul3A_181 : i32
      %dma_start3A_183 = arith.constant 0 : i32
      %dma_start3A_184 = arith.constant 0 : i32
      %dma_start3A_185 = arith.constant 0 : i32
      %dma_start3A_186 = arith.constant 0 : i32
      %dma_start3A_187 = tpu.memref_slice %arg7[%dma_start3A_183, %dma_start3A_185, %dma_start3A_186] : memref<4x4x1024xf32, #tpu.memory_space<vmem>> -> memref<1x4x1024xf32, #tpu.memory_space<vmem>>
      %dma_start3A_188 = tpu.memref_squeeze %dma_start3A_187 : memref<1x4x1024xf32, #tpu.memory_space<vmem>> -> memref<4x1024xf32, #tpu.memory_space<vmem>>
      %dma_start3A_189 = arith.constant 0 : i32
      %dma_start3A_190 = tpu.memref_slice %arg4[%add3A_162, %dma_start3A_189, %mul3A_182] : memref<200x4x32768xf32, #tpu.memory_space<hbm>> -> memref<1x4x1024xf32, #tpu.memory_space<hbm>>
      %dma_start3A_191 = tpu.memref_squeeze %dma_start3A_190 : memref<1x4x1024xf32, #tpu.memory_space<hbm>> -> memref<4x1024xf32, #tpu.memory_space<hbm>>
      %dma_start3A_192 = tpu.memref_slice %arg10[%dma_start3A_184] : memref<4x!tpu.dma_semaphore, #tpu.memory_space<semaphore_mem>> -> memref<1x!tpu.dma_semaphore, #tpu.memory_space<semaphore_mem>>
      %dma_start3A_193 = tpu.memref_squeeze %dma_start3A_192 : memref<1x!tpu.dma_semaphore, #tpu.memory_space<semaphore_mem>> -> memref<!tpu.dma_semaphore, #tpu.memory_space<semaphore_mem>>
      %dma_start3A_194 = arith.constant 0 : i32
      %dma_start3A_195 = tpu.memref_slice %arg4[%add3A_162, %dma_start3A_194, %mul3A_182] : memref<200x4x32768xf32, #tpu.memory_space<hbm>> -> memref<1x4x1024xf32, #tpu.memory_space<hbm>>
      %dma_start3A_196 = tpu.memref_squeeze %dma_start3A_195 : memref<1x4x1024xf32, #tpu.memory_space<hbm>> -> memref<4x1024xf32, #tpu.memory_space<hbm>>
      %dma_start3A_197 = arith.constant 0 : i32
      %dma_start3A_198 = arith.constant 0 : i32
      %dma_start3A_199 = tpu.memref_slice %arg7[%dma_start3A_183, %dma_start3A_197, %dma_start3A_198] : memref<4x4x1024xf32, #tpu.memory_space<vmem>> -> memref<1x4x1024xf32, #tpu.memory_space<vmem>>
      %dma_start3A_200 = tpu.memref_squeeze %dma_start3A_199 : memref<1x4x1024xf32, #tpu.memory_space<vmem>> -> memref<4x1024xf32, #tpu.memory_space<vmem>>
      tpu.enqueue_dma source(%dma_start3A_200 : memref<4x1024xf32, #tpu.memory_space<vmem>>) target(%dma_start3A_196 : memref<4x1024xf32, #tpu.memory_space<hbm>>) target_semaphore(%dma_start3A_193 : memref<!tpu.dma_semaphore, #tpu.memory_space<semaphore_mem>>)
      %add3A_201 = arith.constant 4 : i32
      %add3A_202 = arith.addi %add3A_162, %add3A_201 : i32
      %lt3A = arith.constant 200 : i32
      %lt3A_203 = arith.cmpi slt, %add3A_202, %lt3A : i32
      %convert_element_type3A_204 = arith.extui %lt3A_203 : i1 to i32
      %cond3A_205 = arith.constant 0 : i32
      %cond3A_206 = arith.cmpi ne, %convert_element_type3A_204, %cond3A_205 : i32
      scf.if %cond3A_206 {
        %add3A_360 = arith.constant 4 : i32
        %add3A_361 = arith.addi %add3A_162, %add3A_360 : i32
        %dma_start3A_362 = arith.constant 0 : i32
        %dma_start3A_363 = arith.constant 0 : i32
        %dma_start3A_364 = arith.constant 0 : i32
        %dma_start3A_365 = arith.constant 0 : i32
        %dma_start3A_366 = tpu.memref_slice %arg6[%dma_start3A_362, %dma_start3A_364, %dma_start3A_365] : memref<4x128x32xf32, #tpu.memory_space<vmem>> -> memref<1x128x32xf32, #tpu.memory_space<vmem>>
        %dma_start3A_367 = tpu.memref_squeeze %dma_start3A_366 : memref<1x128x32xf32, #tpu.memory_space<vmem>> -> memref<128x32xf32, #tpu.memory_space<vmem>>
        %dma_start3A_368 = arith.constant 0 : i32
        %dma_start3A_369 = tpu.memref_slice %arg5[%add3A_361, %dma_start3A_368] : memref<200x128xi32, #tpu.memory_space<vmem>> -> memref<1x128xi32, #tpu.memory_space<vmem>>
        %dma_start3A_370 = tpu.memref_squeeze %dma_start3A_369 : memref<1x128xi32, #tpu.memory_space<vmem>> -> memref<128xi32, #tpu.memory_space<vmem>>
        %dma_start3A_371 = arith.constant 0 : i32
        %dma_start3A_372 = arith.constant 0 : i32
        %dma_start3A_373 = tpu.memref_slice %arg3[%dma_start3A_371, %dma_start3A_372] : memref<1000000x32xf32, #tpu.memory_space<hbm>> -> memref<1000000x32xf32, #tpu.memory_space<hbm>>
        %dma_start3A_374 = tpu.memref_slice %arg9[%dma_start3A_363] : memref<4x!tpu.dma_semaphore, #tpu.memory_space<semaphore_mem>> -> memref<1x!tpu.dma_semaphore, #tpu.memory_space<semaphore_mem>>
        %dma_start3A_375 = tpu.memref_squeeze %dma_start3A_374 : memref<1x!tpu.dma_semaphore, #tpu.memory_space<semaphore_mem>> -> memref<!tpu.dma_semaphore, #tpu.memory_space<semaphore_mem>>
        tpu.enqueue_indirect_dma source(%dma_start3A_373 : memref<1000000x32xf32, #tpu.memory_space<hbm>>) target(%dma_start3A_367 : memref<128x32xf32, #tpu.memory_space<vmem>>) offsets(%dma_start3A_370 : memref<128xi32, #tpu.memory_space<vmem>>) semaphore(%dma_start3A_375 : memref<!tpu.dma_semaphore, #tpu.memory_space<semaphore_mem>>)
      } else {
      }
      %add3A_207 = arith.constant 1 : i32
      %add3A_208 = arith.addi %mul3A_160, %add3A_207 : i32
      %dma_wait3A_209 = arith.constant 1 : i32
      %dma_wait3A_210 = arith.constant 1 : i32
      %dma_wait3A_211 = arith.constant 0 : i32
      %dma_wait3A_212 = arith.constant 0 : i32
      %dma_wait3A_213 = tpu.memref_slice %arg6[%dma_wait3A_209, %dma_wait3A_211, %dma_wait3A_212] : memref<4x128x32xf32, #tpu.memory_space<vmem>> -> memref<1x128x32xf32, #tpu.memory_space<vmem>>
      %dma_wait3A_214 = tpu.memref_squeeze %dma_wait3A_213 : memref<1x128x32xf32, #tpu.memory_space<vmem>> -> memref<128x32xf32, #tpu.memory_space<vmem>>
      %dma_wait3A_215 = arith.constant 0 : i32
      %dma_wait3A_216 = tpu.memref_slice %arg5[%add3A_208, %dma_wait3A_215] : memref<200x128xi32, #tpu.memory_space<vmem>> -> memref<1x128xi32, #tpu.memory_space<vmem>>
      %dma_wait3A_217 = tpu.memref_squeeze %dma_wait3A_216 : memref<1x128xi32, #tpu.memory_space<vmem>> -> memref<128xi32, #tpu.memory_space<vmem>>
      %dma_wait3A_218 = arith.constant 0 : i32
      %dma_wait3A_219 = arith.constant 0 : i32
      %dma_wait3A_220 = tpu.memref_slice %arg3[%dma_wait3A_218, %dma_wait3A_219] : memref<1000000x32xf32, #tpu.memory_space<hbm>> -> memref<1000000x32xf32, #tpu.memory_space<hbm>>
      %dma_wait3A_221 = tpu.memref_slice %arg9[%dma_wait3A_210] : memref<4x!tpu.dma_semaphore, #tpu.memory_space<semaphore_mem>> -> memref<1x!tpu.dma_semaphore, #tpu.memory_space<semaphore_mem>>
      %dma_wait3A_222 = tpu.memref_squeeze %dma_wait3A_221 : memref<1x!tpu.dma_semaphore, #tpu.memory_space<semaphore_mem>> -> memref<!tpu.dma_semaphore, #tpu.memory_space<semaphore_mem>>
      tpu.wait_indirect_dma semaphore(%dma_wait3A_222 : memref<!tpu.dma_semaphore, #tpu.memory_space<semaphore_mem>>) src(%dma_wait3A_220 : memref<1000000x32xf32, #tpu.memory_space<hbm>>) dst(%dma_wait3A_214 : memref<128x32xf32, #tpu.memory_space<vmem>>)
      %gt3A_223 = arith.constant 0 : i32
      %gt3A_224 = arith.cmpi sgt, %scan3A_158, %gt3A_223 : i32
      %convert_element_type3A_225 = arith.extui %gt3A_224 : i1 to i32
      %cond3A_226 = arith.constant 0 : i32
      %cond3A_227 = arith.cmpi ne, %convert_element_type3A_225, %cond3A_226 : i32
      scf.if %cond3A_227 {
        %sub3A = arith.constant 4 : i32
        %sub3A_360 = arith.subi %add3A_208, %sub3A : i32
        %mul3A_361 = arith.constant 1024 : i32
        %mul3A_362 = arith.muli %add3A, %mul3A_361 : i32
        %dma_wait3A_363 = arith.constant 1 : i32
        %dma_wait3A_364 = arith.constant 1 : i32
        %dma_wait3A_365 = arith.constant 0 : i32
        %dma_wait3A_366 = arith.constant 0 : i32
        %dma_wait3A_367 = tpu.memref_slice %arg7[%dma_wait3A_363, %dma_wait3A_365, %dma_wait3A_366] : memref<4x4x1024xf32, #tpu.memory_space<vmem>> -> memref<1x4x1024xf32, #tpu.memory_space<vmem>>
        %dma_wait3A_368 = tpu.memref_squeeze %dma_wait3A_367 : memref<1x4x1024xf32, #tpu.memory_space<vmem>> -> memref<4x1024xf32, #tpu.memory_space<vmem>>
        %dma_wait3A_369 = arith.constant 0 : i32
        %dma_wait3A_370 = tpu.memref_slice %arg4[%sub3A_360, %dma_wait3A_369, %mul3A_362] : memref<200x4x32768xf32, #tpu.memory_space<hbm>> -> memref<1x4x1024xf32, #tpu.memory_space<hbm>>
        %dma_wait3A_371 = tpu.memref_squeeze %dma_wait3A_370 : memref<1x4x1024xf32, #tpu.memory_space<hbm>> -> memref<4x1024xf32, #tpu.memory_space<hbm>>
        %dma_wait3A_372 = tpu.memref_slice %arg10[%dma_wait3A_364] : memref<4x!tpu.dma_semaphore, #tpu.memory_space<semaphore_mem>> -> memref<1x!tpu.dma_semaphore, #tpu.memory_space<semaphore_mem>>
        %dma_wait3A_373 = tpu.memref_squeeze %dma_wait3A_372 : memref<1x!tpu.dma_semaphore, #tpu.memory_space<semaphore_mem>> -> memref<!tpu.dma_semaphore, #tpu.memory_space<semaphore_mem>>
        %dma_wait3A_374 = arith.constant 0 : i32
        %dma_wait3A_375 = tpu.memref_slice %arg4[%sub3A_360, %dma_wait3A_374, %mul3A_362] : memref<200x4x32768xf32, #tpu.memory_space<hbm>> -> memref<1x4x1024xf32, #tpu.memory_space<hbm>>
        %dma_wait3A_376 = tpu.memref_squeeze %dma_wait3A_375 : memref<1x4x1024xf32, #tpu.memory_space<hbm>> -> memref<4x1024xf32, #tpu.memory_space<hbm>>
        %dma_wait3A_377 = arith.constant 0 : i32
        %dma_wait3A_378 = arith.constant 0 : i32
        %dma_wait3A_379 = tpu.memref_slice %arg7[%dma_wait3A_363, %dma_wait3A_377, %dma_wait3A_378] : memref<4x4x1024xf32, #tpu.memory_space<vmem>> -> memref<1x4x1024xf32, #tpu.memory_space<vmem>>
        %dma_wait3A_380 = tpu.memref_squeeze %dma_wait3A_379 : memref<1x4x1024xf32, #tpu.memory_space<vmem>> -> memref<4x1024xf32, #tpu.memory_space<vmem>>
        tpu.wait_dma2 semaphore(%dma_wait3A_373 : memref<!tpu.dma_semaphore, #tpu.memory_space<semaphore_mem>>) src(%dma_wait3A_380 : memref<4x1024xf32, #tpu.memory_space<vmem>>) dst(%dma_wait3A_376 : memref<4x1024xf32, #tpu.memory_space<hbm>>)
      } else {
      }
      %parallel_loop3A_228 = arith.constant 0 : i32
      %parallel_loop3A_229 = arith.constant 128 : i32
      %parallel_loop3A_230 = arith.constant 1 : i32
      scf.for %parallel_loop3A_360 = %parallel_loop3A_228 to %parallel_loop3A_229 step %parallel_loop3A_230  : i32 {
        %parallel_loop3A_361 = arith.constant 0 : i32
        %parallel_loop3A_362 = vector.broadcast %parallel_loop3A_361 : i32 to vector<16xi32>
        %parallel_loop3A_363 = vector.broadcast %parallel_loop3A_360 : i32 to vector<16xi32>
        %parallel_loop3A_364 = arith.addi %parallel_loop3A_362, %parallel_loop3A_363 : vector<16xi32>
        %parallel_loop3A_365 = arith.constant 0 : i32
        %parallel_loop3A_366 = vector.broadcast %parallel_loop3A_365 : i32 to vector<16xi32>
        %parallel_loop3A_367 = arith.addi %iota3A, %parallel_loop3A_366 : vector<16xi32>
        %parallel_loop3A_368 = arith.constant 1 : i32
        %parallel_loop3A_369 = arith.index_cast %parallel_loop3A_368 : i32 to index
        %parallel_loop3A_370 = arith.index_cast %parallel_loop3A_360 : i32 to index
        %parallel_loop3A_371 = arith.constant 0 : index
        %parallel_loop3A_372 = tpu.vector_load %arg6[%parallel_loop3A_369, %parallel_loop3A_370, %parallel_loop3A_371] {strides = array<i32>} : memref<4x128x32xf32, #tpu.memory_space<vmem>>, vector<16xf32>,
        %parallel_loop3A_373 = arith.constant 8 : i32
        %parallel_loop3A_374 = vector.broadcast %parallel_loop3A_373 : i32 to vector<16xi32>
        %parallel_loop3A_375 = arith.divsi %parallel_loop3A_367, %parallel_loop3A_374 : vector<16xi32>
        %parallel_loop3A_376 = arith.constant 0 : i32
        %parallel_loop3A_377 = vector.broadcast %parallel_loop3A_376 : i32 to vector<16xi32>
        %parallel_loop3A_378 = arith.cmpi sgt, %parallel_loop3A_367, %parallel_loop3A_377 : vector<16xi32>
        %parallel_loop3A_379 = arith.extui %parallel_loop3A_378 : vector<16xi1> to vector<16xi32>
        %parallel_loop3A_380 = arith.constant 0 : i32
        %parallel_loop3A_381 = vector.broadcast %parallel_loop3A_380 : i32 to vector<16xi32>
        %parallel_loop3A_382 = arith.cmpi slt, %parallel_loop3A_367, %parallel_loop3A_381 : vector<16xi32>
        %parallel_loop3A_383 = arith.extui %parallel_loop3A_382 : vector<16xi1> to vector<16xi32>
        %parallel_loop3A_384 = arith.subi %parallel_loop3A_379, %parallel_loop3A_383 : vector<16xi32>
        %parallel_loop3A_385 = arith.constant 0 : i32
        %parallel_loop3A_386 = arith.cmpi sgt, %parallel_loop3A_373, %parallel_loop3A_385 : i32
        %parallel_loop3A_387 = arith.extui %parallel_loop3A_386 : i1 to i32
        %parallel_loop3A_388 = arith.constant 0 : i32
        %parallel_loop3A_389 = arith.cmpi slt, %parallel_loop3A_373, %parallel_loop3A_388 : i32
        %parallel_loop3A_390 = arith.extui %parallel_loop3A_389 : i1 to i32
        %parallel_loop3A_391 = arith.subi %parallel_loop3A_387, %parallel_loop3A_390 : i32
        %parallel_loop3A_392 = vector.broadcast %parallel_loop3A_391 : i32 to vector<16xi32>
        %parallel_loop3A_393 = arith.cmpi ne, %parallel_loop3A_384, %parallel_loop3A_392 : vector<16xi32>
        %parallel_loop3A_394 = vector.broadcast %parallel_loop3A_373 : i32 to vector<16xi32>
        %parallel_loop3A_395 = arith.remsi %parallel_loop3A_367, %parallel_loop3A_394 : vector<16xi32>
        %parallel_loop3A_396 = arith.constant 0 : i32
        %parallel_loop3A_397 = vector.broadcast %parallel_loop3A_396 : i32 to vector<16xi32>
        %parallel_loop3A_398 = arith.cmpi ne, %parallel_loop3A_395, %parallel_loop3A_397 : vector<16xi32>
        %parallel_loop3A_399 = arith.andi %parallel_loop3A_393, %parallel_loop3A_398 : vector<16xi1>
        %parallel_loop3A_400 = arith.constant 1 : i32
        %parallel_loop3A_401 = vector.broadcast %parallel_loop3A_400 : i32 to vector<16xi32>
        %parallel_loop3A_402 = arith.subi %parallel_loop3A_375, %parallel_loop3A_401 : vector<16xi32>
        %parallel_loop3A_403 = arith.select %parallel_loop3A_399, %parallel_loop3A_402, %parallel_loop3A_375 : vector<16xi1>, vector<16xi32>
        %parallel_loop3A_404 = arith.constant 8 : i32
        %parallel_loop3A_405 = arith.constant 0 : i32
        %parallel_loop3A_406 = arith.cmpi eq, %parallel_loop3A_404, %parallel_loop3A_405 : i32
        %parallel_loop3A_407 = arith.constant 1 : i32
        %parallel_loop3A_408 = arith.select %parallel_loop3A_406, %parallel_loop3A_407, %parallel_loop3A_404 : i32
        %parallel_loop3A_409 = vector.broadcast %parallel_loop3A_408 : i32 to vector<16xi32>
        %parallel_loop3A_410 = arith.remsi %parallel_loop3A_367, %parallel_loop3A_409 : vector<16xi32>
        %parallel_loop3A_411 = arith.constant 0 : i32
        %parallel_loop3A_412 = vector.broadcast %parallel_loop3A_411 : i32 to vector<16xi32>
        %parallel_loop3A_413 = arith.cmpi ne, %parallel_loop3A_410, %parallel_loop3A_412 : vector<16xi32>
        %parallel_loop3A_414 = arith.constant 0 : i32
        %parallel_loop3A_415 = vector.broadcast %parallel_loop3A_414 : i32 to vector<16xi32>
        %parallel_loop3A_416 = arith.cmpi slt, %parallel_loop3A_410, %parallel_loop3A_415 : vector<16xi32>
        %parallel_loop3A_417 = arith.constant 0 : i32
        %parallel_loop3A_418 = arith.cmpi slt, %parallel_loop3A_408, %parallel_loop3A_417 : i32
        %parallel_loop3A_419 = vector.broadcast %parallel_loop3A_418 : i1 to vector<16xi1>
        %parallel_loop3A_420 = vector.broadcast %parallel_loop3A_419 : vector<16xi1> to vector<16xi1>
        %parallel_loop3A_421 = arith.xori %parallel_loop3A_416, %parallel_loop3A_420 : vector<16xi1>
        %parallel_loop3A_422 = arith.andi %parallel_loop3A_421, %parallel_loop3A_413 : vector<16xi1>
        %parallel_loop3A_423 = vector.broadcast %parallel_loop3A_408 : i32 to vector<16xi32>
        %parallel_loop3A_424 = arith.addi %parallel_loop3A_410, %parallel_loop3A_423 : vector<16xi32>
        %parallel_loop3A_425 = arith.select %parallel_loop3A_422, %parallel_loop3A_424, %parallel_loop3A_410 : vector<16xi1>, vector<16xi32>
        %parallel_loop3A_426 = arith.constant 128 : i32
        %parallel_loop3A_427 = vector.broadcast %parallel_loop3A_426 : i32 to vector<16xi32>
        %parallel_loop3A_428 = arith.muli %parallel_loop3A_425, %parallel_loop3A_427 : vector<16xi32>
        %parallel_loop3A_429 = arith.addi %parallel_loop3A_428, %parallel_loop3A_364 : vector<16xi32>
        %parallel_loop3A_430 = arith.constant 1 : i32
        %parallel_loop3A_431 = arith.constant 0 : i32
        %parallel_loop3A_432 = arith.constant 0 : i32
        %parallel_loop3A_433 = tpu.memref_slice %arg7[%parallel_loop3A_430, %parallel_loop3A_431, %parallel_loop3A_432] : memref<4x4x1024xf32, #tpu.memory_space<vmem>> -> memref<1x4x1024xf32, #tpu.memory_space<vmem>>
        %parallel_loop3A_434 = tpu.memref_squeeze %parallel_loop3A_433 : memref<1x4x1024xf32, #tpu.memory_space<vmem>> -> memref<4x1024xf32, #tpu.memory_space<vmem>>
        tpu.vector_store_idx %parallel_loop3A_434[%parallel_loop3A_403, %parallel_loop3A_429], %parallel_loop3A_372 : memref<4x1024xf32, #tpu.memory_space<vmem>>[vector<16xi32>, vector<16xi32>], vector<16xf32>,
        %parallel_loop3A_435 = arith.constant 16 : i32
        %parallel_loop3A_436 = vector.broadcast %parallel_loop3A_435 : i32 to vector<16xi32>
        %parallel_loop3A_437 = arith.addi %iota3A, %parallel_loop3A_436 : vector<16xi32>
        %parallel_loop3A_438 = arith.constant 1 : i32
        %parallel_loop3A_439 = arith.index_cast %parallel_loop3A_438 : i32 to index
        %parallel_loop3A_440 = arith.index_cast %parallel_loop3A_360 : i32 to index
        %parallel_loop3A_441 = arith.constant 16 : index
        %parallel_loop3A_442 = tpu.vector_load %arg6[%parallel_loop3A_439, %parallel_loop3A_440, %parallel_loop3A_441] {strides = array<i32>} : memref<4x128x32xf32, #tpu.memory_space<vmem>>, vector<16xf32>,
        %parallel_loop3A_443 = arith.constant 8 : i32
        %parallel_loop3A_444 = vector.broadcast %parallel_loop3A_443 : i32 to vector<16xi32>
        %parallel_loop3A_445 = arith.divsi %parallel_loop3A_437, %parallel_loop3A_444 : vector<16xi32>
        %parallel_loop3A_446 = arith.constant 0 : i32
        %parallel_loop3A_447 = vector.broadcast %parallel_loop3A_446 : i32 to vector<16xi32>
        %parallel_loop3A_448 = arith.cmpi sgt, %parallel_loop3A_437, %parallel_loop3A_447 : vector<16xi32>
        %parallel_loop3A_449 = arith.extui %parallel_loop3A_448 : vector<16xi1> to vector<16xi32>
        %parallel_loop3A_450 = arith.constant 0 : i32
        %parallel_loop3A_451 = vector.broadcast %parallel_loop3A_450 : i32 to vector<16xi32>
        %parallel_loop3A_452 = arith.cmpi slt, %parallel_loop3A_437, %parallel_loop3A_451 : vector<16xi32>
        %parallel_loop3A_453 = arith.extui %parallel_loop3A_452 : vector<16xi1> to vector<16xi32>
        %parallel_loop3A_454 = arith.subi %parallel_loop3A_449, %parallel_loop3A_453 : vector<16xi32>
        %parallel_loop3A_455 = arith.constant 0 : i32
        %parallel_loop3A_456 = arith.cmpi sgt, %parallel_loop3A_443, %parallel_loop3A_455 : i32
        %parallel_loop3A_457 = arith.extui %parallel_loop3A_456 : i1 to i32
        %parallel_loop3A_458 = arith.constant 0 : i32
        %parallel_loop3A_459 = arith.cmpi slt, %parallel_loop3A_443, %parallel_loop3A_458 : i32
        %parallel_loop3A_460 = arith.extui %parallel_loop3A_459 : i1 to i32
        %parallel_loop3A_461 = arith.subi %parallel_loop3A_457, %parallel_loop3A_460 : i32
        %parallel_loop3A_462 = vector.broadcast %parallel_loop3A_461 : i32 to vector<16xi32>
        %parallel_loop3A_463 = arith.cmpi ne, %parallel_loop3A_454, %parallel_loop3A_462 : vector<16xi32>
        %parallel_loop3A_464 = vector.broadcast %parallel_loop3A_443 : i32 to vector<16xi32>
        %parallel_loop3A_465 = arith.remsi %parallel_loop3A_437, %parallel_loop3A_464 : vector<16xi32>
        %parallel_loop3A_466 = arith.constant 0 : i32
        %parallel_loop3A_467 = vector.broadcast %parallel_loop3A_466 : i32 to vector<16xi32>
        %parallel_loop3A_468 = arith.cmpi ne, %parallel_loop3A_465, %parallel_loop3A_467 : vector<16xi32>
        %parallel_loop3A_469 = arith.andi %parallel_loop3A_463, %parallel_loop3A_468 : vector<16xi1>
        %parallel_loop3A_470 = arith.constant 1 : i32
        %parallel_loop3A_471 = vector.broadcast %parallel_loop3A_470 : i32 to vector<16xi32>
        %parallel_loop3A_472 = arith.subi %parallel_loop3A_445, %parallel_loop3A_471 : vector<16xi32>
        %parallel_loop3A_473 = arith.select %parallel_loop3A_469, %parallel_loop3A_472, %parallel_loop3A_445 : vector<16xi1>, vector<16xi32>
        %parallel_loop3A_474 = arith.constant 8 : i32
        %parallel_loop3A_475 = arith.constant 0 : i32
        %parallel_loop3A_476 = arith.cmpi eq, %parallel_loop3A_474, %parallel_loop3A_475 : i32
        %parallel_loop3A_477 = arith.constant 1 : i32
        %parallel_loop3A_478 = arith.select %parallel_loop3A_476, %parallel_loop3A_477, %parallel_loop3A_474 : i32
        %parallel_loop3A_479 = vector.broadcast %parallel_loop3A_478 : i32 to vector<16xi32>
        %parallel_loop3A_480 = arith.remsi %parallel_loop3A_437, %parallel_loop3A_479 : vector<16xi32>
        %parallel_loop3A_481 = arith.constant 0 : i32
        %parallel_loop3A_482 = vector.broadcast %parallel_loop3A_481 : i32 to vector<16xi32>
        %parallel_loop3A_483 = arith.cmpi ne, %parallel_loop3A_480, %parallel_loop3A_482 : vector<16xi32>
        %parallel_loop3A_484 = arith.constant 0 : i32
        %parallel_loop3A_485 = vector.broadcast %parallel_loop3A_484 : i32 to vector<16xi32>
        %parallel_loop3A_486 = arith.cmpi slt, %parallel_loop3A_480, %parallel_loop3A_485 : vector<16xi32>
        %parallel_loop3A_487 = arith.constant 0 : i32
        %parallel_loop3A_488 = arith.cmpi slt, %parallel_loop3A_478, %parallel_loop3A_487 : i32
        %parallel_loop3A_489 = vector.broadcast %parallel_loop3A_488 : i1 to vector<16xi1>
        %parallel_loop3A_490 = vector.broadcast %parallel_loop3A_489 : vector<16xi1> to vector<16xi1>
        %parallel_loop3A_491 = arith.xori %parallel_loop3A_486, %parallel_loop3A_490 : vector<16xi1>
        %parallel_loop3A_492 = arith.andi %parallel_loop3A_491, %parallel_loop3A_483 : vector<16xi1>
        %parallel_loop3A_493 = vector.broadcast %parallel_loop3A_478 : i32 to vector<16xi32>
        %parallel_loop3A_494 = arith.addi %parallel_loop3A_480, %parallel_loop3A_493 : vector<16xi32>
        %parallel_loop3A_495 = arith.select %parallel_loop3A_492, %parallel_loop3A_494, %parallel_loop3A_480 : vector<16xi1>, vector<16xi32>
        %parallel_loop3A_496 = arith.constant 128 : i32
        %parallel_loop3A_497 = vector.broadcast %parallel_loop3A_496 : i32 to vector<16xi32>
        %parallel_loop3A_498 = arith.muli %parallel_loop3A_495, %parallel_loop3A_497 : vector<16xi32>
        %parallel_loop3A_499 = arith.addi %parallel_loop3A_498, %parallel_loop3A_364 : vector<16xi32>
        %parallel_loop3A_500 = arith.constant 1 : i32
        %parallel_loop3A_501 = arith.constant 0 : i32
        %parallel_loop3A_502 = arith.constant 0 : i32
        %parallel_loop3A_503 = tpu.memref_slice %arg7[%parallel_loop3A_500, %parallel_loop3A_501, %parallel_loop3A_502] : memref<4x4x1024xf32, #tpu.memory_space<vmem>> -> memref<1x4x1024xf32, #tpu.memory_space<vmem>>
        %parallel_loop3A_504 = tpu.memref_squeeze %parallel_loop3A_503 : memref<1x4x1024xf32, #tpu.memory_space<vmem>> -> memref<4x1024xf32, #tpu.memory_space<vmem>>
        tpu.vector_store_idx %parallel_loop3A_504[%parallel_loop3A_473, %parallel_loop3A_499], %parallel_loop3A_442 : memref<4x1024xf32, #tpu.memory_space<vmem>>[vector<16xi32>, vector<16xi32>], vector<16xf32>,
      } {sc.loop_unroll_factor = 1 : i64, sc.parallel_access}
      %mul3A_231 = arith.constant 1024 : i32
      %mul3A_232 = arith.muli %add3A, %mul3A_231 : i32
      %dma_start3A_233 = arith.constant 1 : i32
      %dma_start3A_234 = arith.constant 1 : i32
      %dma_start3A_235 = arith.constant 0 : i32
      %dma_start3A_236 = arith.constant 0 : i32
      %dma_start3A_237 = tpu.memref_slice %arg7[%dma_start3A_233, %dma_start3A_235, %dma_start3A_236] : memref<4x4x1024xf32, #tpu.memory_space<vmem>> -> memref<1x4x1024xf32, #tpu.memory_space<vmem>>
      %dma_start3A_238 = tpu.memref_squeeze %dma_start3A_237 : memref<1x4x1024xf32, #tpu.memory_space<vmem>> -> memref<4x1024xf32, #tpu.memory_space<vmem>>
      %dma_start3A_239 = arith.constant 0 : i32
      %dma_start3A_240 = tpu.memref_slice %arg4[%add3A_208, %dma_start3A_239, %mul3A_232] : memref<200x4x32768xf32, #tpu.memory_space<hbm>> -> memref<1x4x1024xf32, #tpu.memory_space<hbm>>
      %dma_start3A_241 = tpu.memref_squeeze %dma_start3A_240 : memref<1x4x1024xf32, #tpu.memory_space<hbm>> -> memref<4x1024xf32, #tpu.memory_space<hbm>>
      %dma_start3A_242 = tpu.memref_slice %arg10[%dma_start3A_234] : memref<4x!tpu.dma_semaphore, #tpu.memory_space<semaphore_mem>> -> memref<1x!tpu.dma_semaphore, #tpu.memory_space<semaphore_mem>>
      %dma_start3A_243 = tpu.memref_squeeze %dma_start3A_242 : memref<1x!tpu.dma_semaphore, #tpu.memory_space<semaphore_mem>> -> memref<!tpu.dma_semaphore, #tpu.memory_space<semaphore_mem>>
      %dma_start3A_244 = arith.constant 0 : i32
      %dma_start3A_245 = tpu.memref_slice %arg4[%add3A_208, %dma_start3A_244, %mul3A_232] : memref<200x4x32768xf32, #tpu.memory_space<hbm>> -> memref<1x4x1024xf32, #tpu.memory_space<hbm>>
      %dma_start3A_246 = tpu.memref_squeeze %dma_start3A_245 : memref<1x4x1024xf32, #tpu.memory_space<hbm>> -> memref<4x1024xf32, #tpu.memory_space<hbm>>
      %dma_start3A_247 = arith.constant 0 : i32
      %dma_start3A_248 = arith.constant 0 : i32
      %dma_start3A_249 = tpu.memref_slice %arg7[%dma_start3A_233, %dma_start3A_247, %dma_start3A_248] : memref<4x4x1024xf32, #tpu.memory_space<vmem>> -> memref<1x4x1024xf32, #tpu.memory_space<vmem>>
      %dma_start3A_250 = tpu.memref_squeeze %dma_start3A_249 : memref<1x4x1024xf32, #tpu.memory_space<vmem>> -> memref<4x1024xf32, #tpu.memory_space<vmem>>
      tpu.enqueue_dma source(%dma_start3A_250 : memref<4x1024xf32, #tpu.memory_space<vmem>>) target(%dma_start3A_246 : memref<4x1024xf32, #tpu.memory_space<hbm>>) target_semaphore(%dma_start3A_243 : memref<!tpu.dma_semaphore, #tpu.memory_space<semaphore_mem>>)
      %add3A_251 = arith.constant 4 : i32
      %add3A_252 = arith.addi %add3A_208, %add3A_251 : i32
      %lt3A_253 = arith.constant 200 : i32
      %lt3A_254 = arith.cmpi slt, %add3A_252, %lt3A_253 : i32
      %convert_element_type3A_255 = arith.extui %lt3A_254 : i1 to i32
      %cond3A_256 = arith.constant 0 : i32
      %cond3A_257 = arith.cmpi ne, %convert_element_type3A_255, %cond3A_256 : i32
      scf.if %cond3A_257 {
        %add3A_360 = arith.constant 4 : i32
        %add3A_361 = arith.addi %add3A_208, %add3A_360 : i32
        %dma_start3A_362 = arith.constant 1 : i32
        %dma_start3A_363 = arith.constant 1 : i32
        %dma_start3A_364 = arith.constant 0 : i32
        %dma_start3A_365 = arith.constant 0 : i32
        %dma_start3A_366 = tpu.memref_slice %arg6[%dma_start3A_362, %dma_start3A_364, %dma_start3A_365] : memref<4x128x32xf32, #tpu.memory_space<vmem>> -> memref<1x128x32xf32, #tpu.memory_space<vmem>>
        %dma_start3A_367 = tpu.memref_squeeze %dma_start3A_366 : memref<1x128x32xf32, #tpu.memory_space<vmem>> -> memref<128x32xf32, #tpu.memory_space<vmem>>
        %dma_start3A_368 = arith.constant 0 : i32
        %dma_start3A_369 = tpu.memref_slice %arg5[%add3A_361, %dma_start3A_368] : memref<200x128xi32, #tpu.memory_space<vmem>> -> memref<1x128xi32, #tpu.memory_space<vmem>>
        %dma_start3A_370 = tpu.memref_squeeze %dma_start3A_369 : memref<1x128xi32, #tpu.memory_space<vmem>> -> memref<128xi32, #tpu.memory_space<vmem>>
        %dma_start3A_371 = arith.constant 0 : i32
        %dma_start3A_372 = arith.constant 0 : i32
        %dma_start3A_373 = tpu.memref_slice %arg3[%dma_start3A_371, %dma_start3A_372] : memref<1000000x32xf32, #tpu.memory_space<hbm>> -> memref<1000000x32xf32, #tpu.memory_space<hbm>>
        %dma_start3A_374 = tpu.memref_slice %arg9[%dma_start3A_363] : memref<4x!tpu.dma_semaphore, #tpu.memory_space<semaphore_mem>> -> memref<1x!tpu.dma_semaphore, #tpu.memory_space<semaphore_mem>>
        %dma_start3A_375 = tpu.memref_squeeze %dma_start3A_374 : memref<1x!tpu.dma_semaphore, #tpu.memory_space<semaphore_mem>> -> memref<!tpu.dma_semaphore, #tpu.memory_space<semaphore_mem>>
        tpu.enqueue_indirect_dma source(%dma_start3A_373 : memref<1000000x32xf32, #tpu.memory_space<hbm>>) target(%dma_start3A_367 : memref<128x32xf32, #tpu.memory_space<vmem>>) offsets(%dma_start3A_370 : memref<128xi32, #tpu.memory_space<vmem>>) semaphore(%dma_start3A_375 : memref<!tpu.dma_semaphore, #tpu.memory_space<semaphore_mem>>)
      } else {
      }
      %add3A_258 = arith.constant 2 : i32
      %add3A_259 = arith.addi %mul3A_160, %add3A_258 : i32
      %dma_wait3A_260 = arith.constant 2 : i32
      %dma_wait3A_261 = arith.constant 2 : i32
      %dma_wait3A_262 = arith.constant 0 : i32
      %dma_wait3A_263 = arith.constant 0 : i32
      %dma_wait3A_264 = tpu.memref_slice %arg6[%dma_wait3A_260, %dma_wait3A_262, %dma_wait3A_263] : memref<4x128x32xf32, #tpu.memory_space<vmem>> -> memref<1x128x32xf32, #tpu.memory_space<vmem>>
      %dma_wait3A_265 = tpu.memref_squeeze %dma_wait3A_264 : memref<1x128x32xf32, #tpu.memory_space<vmem>> -> memref<128x32xf32, #tpu.memory_space<vmem>>
      %dma_wait3A_266 = arith.constant 0 : i32
      %dma_wait3A_267 = tpu.memref_slice %arg5[%add3A_259, %dma_wait3A_266] : memref<200x128xi32, #tpu.memory_space<vmem>> -> memref<1x128xi32, #tpu.memory_space<vmem>>
      %dma_wait3A_268 = tpu.memref_squeeze %dma_wait3A_267 : memref<1x128xi32, #tpu.memory_space<vmem>> -> memref<128xi32, #tpu.memory_space<vmem>>
      %dma_wait3A_269 = arith.constant 0 : i32
      %dma_wait3A_270 = arith.constant 0 : i32
      %dma_wait3A_271 = tpu.memref_slice %arg3[%dma_wait3A_269, %dma_wait3A_270] : memref<1000000x32xf32, #tpu.memory_space<hbm>> -> memref<1000000x32xf32, #tpu.memory_space<hbm>>
      %dma_wait3A_272 = tpu.memref_slice %arg9[%dma_wait3A_261] : memref<4x!tpu.dma_semaphore, #tpu.memory_space<semaphore_mem>> -> memref<1x!tpu.dma_semaphore, #tpu.memory_space<semaphore_mem>>
      %dma_wait3A_273 = tpu.memref_squeeze %dma_wait3A_272 : memref<1x!tpu.dma_semaphore, #tpu.memory_space<semaphore_mem>> -> memref<!tpu.dma_semaphore, #tpu.memory_space<semaphore_mem>>
      tpu.wait_indirect_dma semaphore(%dma_wait3A_273 : memref<!tpu.dma_semaphore, #tpu.memory_space<semaphore_mem>>) src(%dma_wait3A_271 : memref<1000000x32xf32, #tpu.memory_space<hbm>>) dst(%dma_wait3A_265 : memref<128x32xf32, #tpu.memory_space<vmem>>)
      %gt3A_274 = arith.constant 0 : i32
      %gt3A_275 = arith.cmpi sgt, %scan3A_158, %gt3A_274 : i32
      %convert_element_type3A_276 = arith.extui %gt3A_275 : i1 to i32
      %cond3A_277 = arith.constant 0 : i32
      %cond3A_278 = arith.cmpi ne, %convert_element_type3A_276, %cond3A_277 : i32
      scf.if %cond3A_278 {
        %sub3A = arith.constant 4 : i32
        %sub3A_360 = arith.subi %add3A_259, %sub3A : i32
        %mul3A_361 = arith.constant 1024 : i32
        %mul3A_362 = arith.muli %add3A, %mul3A_361 : i32
        %dma_wait3A_363 = arith.constant 2 : i32
        %dma_wait3A_364 = arith.constant 2 : i32
        %dma_wait3A_365 = arith.constant 0 : i32
        %dma_wait3A_366 = arith.constant 0 : i32
        %dma_wait3A_367 = tpu.memref_slice %arg7[%dma_wait3A_363, %dma_wait3A_365, %dma_wait3A_366] : memref<4x4x1024xf32, #tpu.memory_space<vmem>> -> memref<1x4x1024xf32, #tpu.memory_space<vmem>>
        %dma_wait3A_368 = tpu.memref_squeeze %dma_wait3A_367 : memref<1x4x1024xf32, #tpu.memory_space<vmem>> -> memref<4x1024xf32, #tpu.memory_space<vmem>>
        %dma_wait3A_369 = arith.constant 0 : i32
        %dma_wait3A_370 = tpu.memref_slice %arg4[%sub3A_360, %dma_wait3A_369, %mul3A_362] : memref<200x4x32768xf32, #tpu.memory_space<hbm>> -> memref<1x4x1024xf32, #tpu.memory_space<hbm>>
        %dma_wait3A_371 = tpu.memref_squeeze %dma_wait3A_370 : memref<1x4x1024xf32, #tpu.memory_space<hbm>> -> memref<4x1024xf32, #tpu.memory_space<hbm>>
        %dma_wait3A_372 = tpu.memref_slice %arg10[%dma_wait3A_364] : memref<4x!tpu.dma_semaphore, #tpu.memory_space<semaphore_mem>> -> memref<1x!tpu.dma_semaphore, #tpu.memory_space<semaphore_mem>>
        %dma_wait3A_373 = tpu.memref_squeeze %dma_wait3A_372 : memref<1x!tpu.dma_semaphore, #tpu.memory_space<semaphore_mem>> -> memref<!tpu.dma_semaphore, #tpu.memory_space<semaphore_mem>>
        %dma_wait3A_374 = arith.constant 0 : i32
        %dma_wait3A_375 = tpu.memref_slice %arg4[%sub3A_360, %dma_wait3A_374, %mul3A_362] : memref<200x4x32768xf32, #tpu.memory_space<hbm>> -> memref<1x4x1024xf32, #tpu.memory_space<hbm>>
        %dma_wait3A_376 = tpu.memref_squeeze %dma_wait3A_375 : memref<1x4x1024xf32, #tpu.memory_space<hbm>> -> memref<4x1024xf32, #tpu.memory_space<hbm>>
        %dma_wait3A_377 = arith.constant 0 : i32
        %dma_wait3A_378 = arith.constant 0 : i32
        %dma_wait3A_379 = tpu.memref_slice %arg7[%dma_wait3A_363, %dma_wait3A_377, %dma_wait3A_378] : memref<4x4x1024xf32, #tpu.memory_space<vmem>> -> memref<1x4x1024xf32, #tpu.memory_space<vmem>>
        %dma_wait3A_380 = tpu.memref_squeeze %dma_wait3A_379 : memref<1x4x1024xf32, #tpu.memory_space<vmem>> -> memref<4x1024xf32, #tpu.memory_space<vmem>>
        tpu.wait_dma2 semaphore(%dma_wait3A_373 : memref<!tpu.dma_semaphore, #tpu.memory_space<semaphore_mem>>) src(%dma_wait3A_380 : memref<4x1024xf32, #tpu.memory_space<vmem>>) dst(%dma_wait3A_376 : memref<4x1024xf32, #tpu.memory_space<hbm>>)
      } else {
      }
      %parallel_loop3A_279 = arith.constant 0 : i32
      %parallel_loop3A_280 = arith.constant 128 : i32
      %parallel_loop3A_281 = arith.constant 1 : i32
      scf.for %parallel_loop3A_360 = %parallel_loop3A_279 to %parallel_loop3A_280 step %parallel_loop3A_281  : i32 {
        %parallel_loop3A_361 = arith.constant 0 : i32
        %parallel_loop3A_362 = vector.broadcast %parallel_loop3A_361 : i32 to vector<16xi32>
        %parallel_loop3A_363 = vector.broadcast %parallel_loop3A_360 : i32 to vector<16xi32>
        %parallel_loop3A_364 = arith.addi %parallel_loop3A_362, %parallel_loop3A_363 : vector<16xi32>
        %parallel_loop3A_365 = arith.constant 0 : i32
        %parallel_loop3A_366 = vector.broadcast %parallel_loop3A_365 : i32 to vector<16xi32>
        %parallel_loop3A_367 = arith.addi %iota3A, %parallel_loop3A_366 : vector<16xi32>
        %parallel_loop3A_368 = arith.constant 2 : i32
        %parallel_loop3A_369 = arith.index_cast %parallel_loop3A_368 : i32 to index
        %parallel_loop3A_370 = arith.index_cast %parallel_loop3A_360 : i32 to index
        %parallel_loop3A_371 = arith.constant 0 : index
        %parallel_loop3A_372 = tpu.vector_load %arg6[%parallel_loop3A_369, %parallel_loop3A_370, %parallel_loop3A_371] {strides = array<i32>} : memref<4x128x32xf32, #tpu.memory_space<vmem>>, vector<16xf32>,
        %parallel_loop3A_373 = arith.constant 8 : i32
        %parallel_loop3A_374 = vector.broadcast %parallel_loop3A_373 : i32 to vector<16xi32>
        %parallel_loop3A_375 = arith.divsi %parallel_loop3A_367, %parallel_loop3A_374 : vector<16xi32>
        %parallel_loop3A_376 = arith.constant 0 : i32
        %parallel_loop3A_377 = vector.broadcast %parallel_loop3A_376 : i32 to vector<16xi32>
        %parallel_loop3A_378 = arith.cmpi sgt, %parallel_loop3A_367, %parallel_loop3A_377 : vector<16xi32>
        %parallel_loop3A_379 = arith.extui %parallel_loop3A_378 : vector<16xi1> to vector<16xi32>
        %parallel_loop3A_380 = arith.constant 0 : i32
        %parallel_loop3A_381 = vector.broadcast %parallel_loop3A_380 : i32 to vector<16xi32>
        %parallel_loop3A_382 = arith.cmpi slt, %parallel_loop3A_367, %parallel_loop3A_381 : vector<16xi32>
        %parallel_loop3A_383 = arith.extui %parallel_loop3A_382 : vector<16xi1> to vector<16xi32>
        %parallel_loop3A_384 = arith.subi %parallel_loop3A_379, %parallel_loop3A_383 : vector<16xi32>
        %parallel_loop3A_385 = arith.constant 0 : i32
        %parallel_loop3A_386 = arith.cmpi sgt, %parallel_loop3A_373, %parallel_loop3A_385 : i32
        %parallel_loop3A_387 = arith.extui %parallel_loop3A_386 : i1 to i32
        %parallel_loop3A_388 = arith.constant 0 : i32
        %parallel_loop3A_389 = arith.cmpi slt, %parallel_loop3A_373, %parallel_loop3A_388 : i32
        %parallel_loop3A_390 = arith.extui %parallel_loop3A_389 : i1 to i32
        %parallel_loop3A_391 = arith.subi %parallel_loop3A_387, %parallel_loop3A_390 : i32
        %parallel_loop3A_392 = vector.broadcast %parallel_loop3A_391 : i32 to vector<16xi32>
        %parallel_loop3A_393 = arith.cmpi ne, %parallel_loop3A_384, %parallel_loop3A_392 : vector<16xi32>
        %parallel_loop3A_394 = vector.broadcast %parallel_loop3A_373 : i32 to vector<16xi32>
        %parallel_loop3A_395 = arith.remsi %parallel_loop3A_367, %parallel_loop3A_394 : vector<16xi32>
        %parallel_loop3A_396 = arith.constant 0 : i32
        %parallel_loop3A_397 = vector.broadcast %parallel_loop3A_396 : i32 to vector<16xi32>
        %parallel_loop3A_398 = arith.cmpi ne, %parallel_loop3A_395, %parallel_loop3A_397 : vector<16xi32>
        %parallel_loop3A_399 = arith.andi %parallel_loop3A_393, %parallel_loop3A_398 : vector<16xi1>
        %parallel_loop3A_400 = arith.constant 1 : i32
        %parallel_loop3A_401 = vector.broadcast %parallel_loop3A_400 : i32 to vector<16xi32>
        %parallel_loop3A_402 = arith.subi %parallel_loop3A_375, %parallel_loop3A_401 : vector<16xi32>
        %parallel_loop3A_403 = arith.select %parallel_loop3A_399, %parallel_loop3A_402, %parallel_loop3A_375 : vector<16xi1>, vector<16xi32>
        %parallel_loop3A_404 = arith.constant 8 : i32
        %parallel_loop3A_405 = arith.constant 0 : i32
        %parallel_loop3A_406 = arith.cmpi eq, %parallel_loop3A_404, %parallel_loop3A_405 : i32
        %parallel_loop3A_407 = arith.constant 1 : i32
        %parallel_loop3A_408 = arith.select %parallel_loop3A_406, %parallel_loop3A_407, %parallel_loop3A_404 : i32
        %parallel_loop3A_409 = vector.broadcast %parallel_loop3A_408 : i32 to vector<16xi32>
        %parallel_loop3A_410 = arith.remsi %parallel_loop3A_367, %parallel_loop3A_409 : vector<16xi32>
        %parallel_loop3A_411 = arith.constant 0 : i32
        %parallel_loop3A_412 = vector.broadcast %parallel_loop3A_411 : i32 to vector<16xi32>
        %parallel_loop3A_413 = arith.cmpi ne, %parallel_loop3A_410, %parallel_loop3A_412 : vector<16xi32>
        %parallel_loop3A_414 = arith.constant 0 : i32
        %parallel_loop3A_415 = vector.broadcast %parallel_loop3A_414 : i32 to vector<16xi32>
        %parallel_loop3A_416 = arith.cmpi slt, %parallel_loop3A_410, %parallel_loop3A_415 : vector<16xi32>
        %parallel_loop3A_417 = arith.constant 0 : i32
        %parallel_loop3A_418 = arith.cmpi slt, %parallel_loop3A_408, %parallel_loop3A_417 : i32
        %parallel_loop3A_419 = vector.broadcast %parallel_loop3A_418 : i1 to vector<16xi1>
        %parallel_loop3A_420 = vector.broadcast %parallel_loop3A_419 : vector<16xi1> to vector<16xi1>
        %parallel_loop3A_421 = arith.xori %parallel_loop3A_416, %parallel_loop3A_420 : vector<16xi1>
        %parallel_loop3A_422 = arith.andi %parallel_loop3A_421, %parallel_loop3A_413 : vector<16xi1>
        %parallel_loop3A_423 = vector.broadcast %parallel_loop3A_408 : i32 to vector<16xi32>
        %parallel_loop3A_424 = arith.addi %parallel_loop3A_410, %parallel_loop3A_423 : vector<16xi32>
        %parallel_loop3A_425 = arith.select %parallel_loop3A_422, %parallel_loop3A_424, %parallel_loop3A_410 : vector<16xi1>, vector<16xi32>
        %parallel_loop3A_426 = arith.constant 128 : i32
        %parallel_loop3A_427 = vector.broadcast %parallel_loop3A_426 : i32 to vector<16xi32>
        %parallel_loop3A_428 = arith.muli %parallel_loop3A_425, %parallel_loop3A_427 : vector<16xi32>
        %parallel_loop3A_429 = arith.addi %parallel_loop3A_428, %parallel_loop3A_364 : vector<16xi32>
        %parallel_loop3A_430 = arith.constant 2 : i32
        %parallel_loop3A_431 = arith.constant 0 : i32
        %parallel_loop3A_432 = arith.constant 0 : i32
        %parallel_loop3A_433 = tpu.memref_slice %arg7[%parallel_loop3A_430, %parallel_loop3A_431, %parallel_loop3A_432] : memref<4x4x1024xf32, #tpu.memory_space<vmem>> -> memref<1x4x1024xf32, #tpu.memory_space<vmem>>
        %parallel_loop3A_434 = tpu.memref_squeeze %parallel_loop3A_433 : memref<1x4x1024xf32, #tpu.memory_space<vmem>> -> memref<4x1024xf32, #tpu.memory_space<vmem>>
        tpu.vector_store_idx %parallel_loop3A_434[%parallel_loop3A_403, %parallel_loop3A_429], %parallel_loop3A_372 : memref<4x1024xf32, #tpu.memory_space<vmem>>[vector<16xi32>, vector<16xi32>], vector<16xf32>,
        %parallel_loop3A_435 = arith.constant 16 : i32
        %parallel_loop3A_436 = vector.broadcast %parallel_loop3A_435 : i32 to vector<16xi32>
        %parallel_loop3A_437 = arith.addi %iota3A, %parallel_loop3A_436 : vector<16xi32>
        %parallel_loop3A_438 = arith.constant 2 : i32
        %parallel_loop3A_439 = arith.index_cast %parallel_loop3A_438 : i32 to index
        %parallel_loop3A_440 = arith.index_cast %parallel_loop3A_360 : i32 to index
        %parallel_loop3A_441 = arith.constant 16 : index
        %parallel_loop3A_442 = tpu.vector_load %arg6[%parallel_loop3A_439, %parallel_loop3A_440, %parallel_loop3A_441] {strides = array<i32>} : memref<4x128x32xf32, #tpu.memory_space<vmem>>, vector<16xf32>,
        %parallel_loop3A_443 = arith.constant 8 : i32
        %parallel_loop3A_444 = vector.broadcast %parallel_loop3A_443 : i32 to vector<16xi32>
        %parallel_loop3A_445 = arith.divsi %parallel_loop3A_437, %parallel_loop3A_444 : vector<16xi32>
        %parallel_loop3A_446 = arith.constant 0 : i32
        %parallel_loop3A_447 = vector.broadcast %parallel_loop3A_446 : i32 to vector<16xi32>
        %parallel_loop3A_448 = arith.cmpi sgt, %parallel_loop3A_437, %parallel_loop3A_447 : vector<16xi32>
        %parallel_loop3A_449 = arith.extui %parallel_loop3A_448 : vector<16xi1> to vector<16xi32>
        %parallel_loop3A_450 = arith.constant 0 : i32
        %parallel_loop3A_451 = vector.broadcast %parallel_loop3A_450 : i32 to vector<16xi32>
        %parallel_loop3A_452 = arith.cmpi slt, %parallel_loop3A_437, %parallel_loop3A_451 : vector<16xi32>
        %parallel_loop3A_453 = arith.extui %parallel_loop3A_452 : vector<16xi1> to vector<16xi32>
        %parallel_loop3A_454 = arith.subi %parallel_loop3A_449, %parallel_loop3A_453 : vector<16xi32>
        %parallel_loop3A_455 = arith.constant 0 : i32
        %parallel_loop3A_456 = arith.cmpi sgt, %parallel_loop3A_443, %parallel_loop3A_455 : i32
        %parallel_loop3A_457 = arith.extui %parallel_loop3A_456 : i1 to i32
        %parallel_loop3A_458 = arith.constant 0 : i32
        %parallel_loop3A_459 = arith.cmpi slt, %parallel_loop3A_443, %parallel_loop3A_458 : i32
        %parallel_loop3A_460 = arith.extui %parallel_loop3A_459 : i1 to i32
        %parallel_loop3A_461 = arith.subi %parallel_loop3A_457, %parallel_loop3A_460 : i32
        %parallel_loop3A_462 = vector.broadcast %parallel_loop3A_461 : i32 to vector<16xi32>
        %parallel_loop3A_463 = arith.cmpi ne, %parallel_loop3A_454, %parallel_loop3A_462 : vector<16xi32>
        %parallel_loop3A_464 = vector.broadcast %parallel_loop3A_443 : i32 to vector<16xi32>
        %parallel_loop3A_465 = arith.remsi %parallel_loop3A_437, %parallel_loop3A_464 : vector<16xi32>
        %parallel_loop3A_466 = arith.constant 0 : i32
        %parallel_loop3A_467 = vector.broadcast %parallel_loop3A_466 : i32 to vector<16xi32>
        %parallel_loop3A_468 = arith.cmpi ne, %parallel_loop3A_465, %parallel_loop3A_467 : vector<16xi32>
        %parallel_loop3A_469 = arith.andi %parallel_loop3A_463, %parallel_loop3A_468 : vector<16xi1>
        %parallel_loop3A_470 = arith.constant 1 : i32
        %parallel_loop3A_471 = vector.broadcast %parallel_loop3A_470 : i32 to vector<16xi32>
        %parallel_loop3A_472 = arith.subi %parallel_loop3A_445, %parallel_loop3A_471 : vector<16xi32>
        %parallel_loop3A_473 = arith.select %parallel_loop3A_469, %parallel_loop3A_472, %parallel_loop3A_445 : vector<16xi1>, vector<16xi32>
        %parallel_loop3A_474 = arith.constant 8 : i32
        %parallel_loop3A_475 = arith.constant 0 : i32
        %parallel_loop3A_476 = arith.cmpi eq, %parallel_loop3A_474, %parallel_loop3A_475 : i32
        %parallel_loop3A_477 = arith.constant 1 : i32
        %parallel_loop3A_478 = arith.select %parallel_loop3A_476, %parallel_loop3A_477, %parallel_loop3A_474 : i32
        %parallel_loop3A_479 = vector.broadcast %parallel_loop3A_478 : i32 to vector<16xi32>
        %parallel_loop3A_480 = arith.remsi %parallel_loop3A_437, %parallel_loop3A_479 : vector<16xi32>
        %parallel_loop3A_481 = arith.constant 0 : i32
        %parallel_loop3A_482 = vector.broadcast %parallel_loop3A_481 : i32 to vector<16xi32>
        %parallel_loop3A_483 = arith.cmpi ne, %parallel_loop3A_480, %parallel_loop3A_482 : vector<16xi32>
        %parallel_loop3A_484 = arith.constant 0 : i32
        %parallel_loop3A_485 = vector.broadcast %parallel_loop3A_484 : i32 to vector<16xi32>
        %parallel_loop3A_486 = arith.cmpi slt, %parallel_loop3A_480, %parallel_loop3A_485 : vector<16xi32>
        %parallel_loop3A_487 = arith.constant 0 : i32
        %parallel_loop3A_488 = arith.cmpi slt, %parallel_loop3A_478, %parallel_loop3A_487 : i32
        %parallel_loop3A_489 = vector.broadcast %parallel_loop3A_488 : i1 to vector<16xi1>
        %parallel_loop3A_490 = vector.broadcast %parallel_loop3A_489 : vector<16xi1> to vector<16xi1>
        %parallel_loop3A_491 = arith.xori %parallel_loop3A_486, %parallel_loop3A_490 : vector<16xi1>
        %parallel_loop3A_492 = arith.andi %parallel_loop3A_491, %parallel_loop3A_483 : vector<16xi1>
        %parallel_loop3A_493 = vector.broadcast %parallel_loop3A_478 : i32 to vector<16xi32>
        %parallel_loop3A_494 = arith.addi %parallel_loop3A_480, %parallel_loop3A_493 : vector<16xi32>
        %parallel_loop3A_495 = arith.select %parallel_loop3A_492, %parallel_loop3A_494, %parallel_loop3A_480 : vector<16xi1>, vector<16xi32>
        %parallel_loop3A_496 = arith.constant 128 : i32
        %parallel_loop3A_497 = vector.broadcast %parallel_loop3A_496 : i32 to vector<16xi32>
        %parallel_loop3A_498 = arith.muli %parallel_loop3A_495, %parallel_loop3A_497 : vector<16xi32>
        %parallel_loop3A_499 = arith.addi %parallel_loop3A_498, %parallel_loop3A_364 : vector<16xi32>
        %parallel_loop3A_500 = arith.constant 2 : i32
        %parallel_loop3A_501 = arith.constant 0 : i32
        %parallel_loop3A_502 = arith.constant 0 : i32
        %parallel_loop3A_503 = tpu.memref_slice %arg7[%parallel_loop3A_500, %parallel_loop3A_501, %parallel_loop3A_502] : memref<4x4x1024xf32, #tpu.memory_space<vmem>> -> memref<1x4x1024xf32, #tpu.memory_space<vmem>>
        %parallel_loop3A_504 = tpu.memref_squeeze %parallel_loop3A_503 : memref<1x4x1024xf32, #tpu.memory_space<vmem>> -> memref<4x1024xf32, #tpu.memory_space<vmem>>
        tpu.vector_store_idx %parallel_loop3A_504[%parallel_loop3A_473, %parallel_loop3A_499], %parallel_loop3A_442 : memref<4x1024xf32, #tpu.memory_space<vmem>>[vector<16xi32>, vector<16xi32>], vector<16xf32>,
      } {sc.loop_unroll_factor = 1 : i64, sc.parallel_access}
      %mul3A_282 = arith.constant 1024 : i32
      %mul3A_283 = arith.muli %add3A, %mul3A_282 : i32
      %dma_start3A_284 = arith.constant 2 : i32
      %dma_start3A_285 = arith.constant 2 : i32
      %dma_start3A_286 = arith.constant 0 : i32
      %dma_start3A_287 = arith.constant 0 : i32
      %dma_start3A_288 = tpu.memref_slice %arg7[%dma_start3A_284, %dma_start3A_286, %dma_start3A_287] : memref<4x4x1024xf32, #tpu.memory_space<vmem>> -> memref<1x4x1024xf32, #tpu.memory_space<vmem>>
      %dma_start3A_289 = tpu.memref_squeeze %dma_start3A_288 : memref<1x4x1024xf32, #tpu.memory_space<vmem>> -> memref<4x1024xf32, #tpu.memory_space<vmem>>
      %dma_start3A_290 = arith.constant 0 : i32
      %dma_start3A_291 = tpu.memref_slice %arg4[%add3A_259, %dma_start3A_290, %mul3A_283] : memref<200x4x32768xf32, #tpu.memory_space<hbm>> -> memref<1x4x1024xf32, #tpu.memory_space<hbm>>
      %dma_start3A_292 = tpu.memref_squeeze %dma_start3A_291 : memref<1x4x1024xf32, #tpu.memory_space<hbm>> -> memref<4x1024xf32, #tpu.memory_space<hbm>>
      %dma_start3A_293 = tpu.memref_slice %arg10[%dma_start3A_285] : memref<4x!tpu.dma_semaphore, #tpu.memory_space<semaphore_mem>> -> memref<1x!tpu.dma_semaphore, #tpu.memory_space<semaphore_mem>>
      %dma_start3A_294 = tpu.memref_squeeze %dma_start3A_293 : memref<1x!tpu.dma_semaphore, #tpu.memory_space<semaphore_mem>> -> memref<!tpu.dma_semaphore, #tpu.memory_space<semaphore_mem>>
      %dma_start3A_295 = arith.constant 0 : i32
      %dma_start3A_296 = tpu.memref_slice %arg4[%add3A_259, %dma_start3A_295, %mul3A_283] : memref<200x4x32768xf32, #tpu.memory_space<hbm>> -> memref<1x4x1024xf32, #tpu.memory_space<hbm>>
      %dma_start3A_297 = tpu.memref_squeeze %dma_start3A_296 : memref<1x4x1024xf32, #tpu.memory_space<hbm>> -> memref<4x1024xf32, #tpu.memory_space<hbm>>
      %dma_start3A_298 = arith.constant 0 : i32
      %dma_start3A_299 = arith.constant 0 : i32
      %dma_start3A_300 = tpu.memref_slice %arg7[%dma_start3A_284, %dma_start3A_298, %dma_start3A_299] : memref<4x4x1024xf32, #tpu.memory_space<vmem>> -> memref<1x4x1024xf32, #tpu.memory_space<vmem>>
      %dma_start3A_301 = tpu.memref_squeeze %dma_start3A_300 : memref<1x4x1024xf32, #tpu.memory_space<vmem>> -> memref<4x1024xf32, #tpu.memory_space<vmem>>
      tpu.enqueue_dma source(%dma_start3A_301 : memref<4x1024xf32, #tpu.memory_space<vmem>>) target(%dma_start3A_297 : memref<4x1024xf32, #tpu.memory_space<hbm>>) target_semaphore(%dma_start3A_294 : memref<!tpu.dma_semaphore, #tpu.memory_space<semaphore_mem>>)
      %add3A_302 = arith.constant 4 : i32
      %add3A_303 = arith.addi %add3A_259, %add3A_302 : i32
      %lt3A_304 = arith.constant 200 : i32
      %lt3A_305 = arith.cmpi slt, %add3A_303, %lt3A_304 : i32
      %convert_element_type3A_306 = arith.extui %lt3A_305 : i1 to i32
      %cond3A_307 = arith.constant 0 : i32
      %cond3A_308 = arith.cmpi ne, %convert_element_type3A_306, %cond3A_307 : i32
      scf.if %cond3A_308 {
        %add3A_360 = arith.constant 4 : i32
        %add3A_361 = arith.addi %add3A_259, %add3A_360 : i32
        %dma_start3A_362 = arith.constant 2 : i32
        %dma_start3A_363 = arith.constant 2 : i32
        %dma_start3A_364 = arith.constant 0 : i32
        %dma_start3A_365 = arith.constant 0 : i32
        %dma_start3A_366 = tpu.memref_slice %arg6[%dma_start3A_362, %dma_start3A_364, %dma_start3A_365] : memref<4x128x32xf32, #tpu.memory_space<vmem>> -> memref<1x128x32xf32, #tpu.memory_space<vmem>>
        %dma_start3A_367 = tpu.memref_squeeze %dma_start3A_366 : memref<1x128x32xf32, #tpu.memory_space<vmem>> -> memref<128x32xf32, #tpu.memory_space<vmem>>
        %dma_start3A_368 = arith.constant 0 : i32
        %dma_start3A_369 = tpu.memref_slice %arg5[%add3A_361, %dma_start3A_368] : memref<200x128xi32, #tpu.memory_space<vmem>> -> memref<1x128xi32, #tpu.memory_space<vmem>>
        %dma_start3A_370 = tpu.memref_squeeze %dma_start3A_369 : memref<1x128xi32, #tpu.memory_space<vmem>> -> memref<128xi32, #tpu.memory_space<vmem>>
        %dma_start3A_371 = arith.constant 0 : i32
        %dma_start3A_372 = arith.constant 0 : i32
        %dma_start3A_373 = tpu.memref_slice %arg3[%dma_start3A_371, %dma_start3A_372] : memref<1000000x32xf32, #tpu.memory_space<hbm>> -> memref<1000000x32xf32, #tpu.memory_space<hbm>>
        %dma_start3A_374 = tpu.memref_slice %arg9[%dma_start3A_363] : memref<4x!tpu.dma_semaphore, #tpu.memory_space<semaphore_mem>> -> memref<1x!tpu.dma_semaphore, #tpu.memory_space<semaphore_mem>>
        %dma_start3A_375 = tpu.memref_squeeze %dma_start3A_374 : memref<1x!tpu.dma_semaphore, #tpu.memory_space<semaphore_mem>> -> memref<!tpu.dma_semaphore, #tpu.memory_space<semaphore_mem>>
        tpu.enqueue_indirect_dma source(%dma_start3A_373 : memref<1000000x32xf32, #tpu.memory_space<hbm>>) target(%dma_start3A_367 : memref<128x32xf32, #tpu.memory_space<vmem>>) offsets(%dma_start3A_370 : memref<128xi32, #tpu.memory_space<vmem>>) semaphore(%dma_start3A_375 : memref<!tpu.dma_semaphore, #tpu.memory_space<semaphore_mem>>)
      } else {
      }
      %add3A_309 = arith.constant 3 : i32
      %add3A_310 = arith.addi %mul3A_160, %add3A_309 : i32
      %dma_wait3A_311 = arith.constant 3 : i32
      %dma_wait3A_312 = arith.constant 3 : i32
      %dma_wait3A_313 = arith.constant 0 : i32
      %dma_wait3A_314 = arith.constant 0 : i32
      %dma_wait3A_315 = tpu.memref_slice %arg6[%dma_wait3A_311, %dma_wait3A_313, %dma_wait3A_314] : memref<4x128x32xf32, #tpu.memory_space<vmem>> -> memref<1x128x32xf32, #tpu.memory_space<vmem>>
      %dma_wait3A_316 = tpu.memref_squeeze %dma_wait3A_315 : memref<1x128x32xf32, #tpu.memory_space<vmem>> -> memref<128x32xf32, #tpu.memory_space<vmem>>
      %dma_wait3A_317 = arith.constant 0 : i32
      %dma_wait3A_318 = tpu.memref_slice %arg5[%add3A_310, %dma_wait3A_317] : memref<200x128xi32, #tpu.memory_space<vmem>> -> memref<1x128xi32, #tpu.memory_space<vmem>>
      %dma_wait3A_319 = tpu.memref_squeeze %dma_wait3A_318 : memref<1x128xi32, #tpu.memory_space<vmem>> -> memref<128xi32, #tpu.memory_space<vmem>>
      %dma_wait3A_320 = arith.constant 0 : i32
      %dma_wait3A_321 = arith.constant 0 : i32
      %dma_wait3A_322 = tpu.memref_slice %arg3[%dma_wait3A_320, %dma_wait3A_321] : memref<1000000x32xf32, #tpu.memory_space<hbm>> -> memref<1000000x32xf32, #tpu.memory_space<hbm>>
      %dma_wait3A_323 = tpu.memref_slice %arg9[%dma_wait3A_312] : memref<4x!tpu.dma_semaphore, #tpu.memory_space<semaphore_mem>> -> memref<1x!tpu.dma_semaphore, #tpu.memory_space<semaphore_mem>>
      %dma_wait3A_324 = tpu.memref_squeeze %dma_wait3A_323 : memref<1x!tpu.dma_semaphore, #tpu.memory_space<semaphore_mem>> -> memref<!tpu.dma_semaphore, #tpu.memory_space<semaphore_mem>>
      tpu.wait_indirect_dma semaphore(%dma_wait3A_324 : memref<!tpu.dma_semaphore, #tpu.memory_space<semaphore_mem>>) src(%dma_wait3A_322 : memref<1000000x32xf32, #tpu.memory_space<hbm>>) dst(%dma_wait3A_316 : memref<128x32xf32, #tpu.memory_space<vmem>>)
      %gt3A_325 = arith.constant 0 : i32
      %gt3A_326 = arith.cmpi sgt, %scan3A_158, %gt3A_325 : i32
      %convert_element_type3A_327 = arith.extui %gt3A_326 : i1 to i32
      %cond3A_328 = arith.constant 0 : i32
      %cond3A_329 = arith.cmpi ne, %convert_element_type3A_327, %cond3A_328 : i32
      scf.if %cond3A_329 {
        %sub3A = arith.constant 4 : i32
        %sub3A_360 = arith.subi %add3A_310, %sub3A : i32
        %mul3A_361 = arith.constant 1024 : i32
        %mul3A_362 = arith.muli %add3A, %mul3A_361 : i32
        %dma_wait3A_363 = arith.constant 3 : i32
        %dma_wait3A_364 = arith.constant 3 : i32
        %dma_wait3A_365 = arith.constant 0 : i32
        %dma_wait3A_366 = arith.constant 0 : i32
        %dma_wait3A_367 = tpu.memref_slice %arg7[%dma_wait3A_363, %dma_wait3A_365, %dma_wait3A_366] : memref<4x4x1024xf32, #tpu.memory_space<vmem>> -> memref<1x4x1024xf32, #tpu.memory_space<vmem>>
        %dma_wait3A_368 = tpu.memref_squeeze %dma_wait3A_367 : memref<1x4x1024xf32, #tpu.memory_space<vmem>> -> memref<4x1024xf32, #tpu.memory_space<vmem>>
        %dma_wait3A_369 = arith.constant 0 : i32
        %dma_wait3A_370 = tpu.memref_slice %arg4[%sub3A_360, %dma_wait3A_369, %mul3A_362] : memref<200x4x32768xf32, #tpu.memory_space<hbm>> -> memref<1x4x1024xf32, #tpu.memory_space<hbm>>
        %dma_wait3A_371 = tpu.memref_squeeze %dma_wait3A_370 : memref<1x4x1024xf32, #tpu.memory_space<hbm>> -> memref<4x1024xf32, #tpu.memory_space<hbm>>
        %dma_wait3A_372 = tpu.memref_slice %arg10[%dma_wait3A_364] : memref<4x!tpu.dma_semaphore, #tpu.memory_space<semaphore_mem>> -> memref<1x!tpu.dma_semaphore, #tpu.memory_space<semaphore_mem>>
        %dma_wait3A_373 = tpu.memref_squeeze %dma_wait3A_372 : memref<1x!tpu.dma_semaphore, #tpu.memory_space<semaphore_mem>> -> memref<!tpu.dma_semaphore, #tpu.memory_space<semaphore_mem>>
        %dma_wait3A_374 = arith.constant 0 : i32
        %dma_wait3A_375 = tpu.memref_slice %arg4[%sub3A_360, %dma_wait3A_374, %mul3A_362] : memref<200x4x32768xf32, #tpu.memory_space<hbm>> -> memref<1x4x1024xf32, #tpu.memory_space<hbm>>
        %dma_wait3A_376 = tpu.memref_squeeze %dma_wait3A_375 : memref<1x4x1024xf32, #tpu.memory_space<hbm>> -> memref<4x1024xf32, #tpu.memory_space<hbm>>
        %dma_wait3A_377 = arith.constant 0 : i32
        %dma_wait3A_378 = arith.constant 0 : i32
        %dma_wait3A_379 = tpu.memref_slice %arg7[%dma_wait3A_363, %dma_wait3A_377, %dma_wait3A_378] : memref<4x4x1024xf32, #tpu.memory_space<vmem>> -> memref<1x4x1024xf32, #tpu.memory_space<vmem>>
        %dma_wait3A_380 = tpu.memref_squeeze %dma_wait3A_379 : memref<1x4x1024xf32, #tpu.memory_space<vmem>> -> memref<4x1024xf32, #tpu.memory_space<vmem>>
        tpu.wait_dma2 semaphore(%dma_wait3A_373 : memref<!tpu.dma_semaphore, #tpu.memory_space<semaphore_mem>>) src(%dma_wait3A_380 : memref<4x1024xf32, #tpu.memory_space<vmem>>) dst(%dma_wait3A_376 : memref<4x1024xf32, #tpu.memory_space<hbm>>)
      } else {
      }
      %parallel_loop3A_330 = arith.constant 0 : i32
      %parallel_loop3A_331 = arith.constant 128 : i32
      %parallel_loop3A_332 = arith.constant 1 : i32
      scf.for %parallel_loop3A_360 = %parallel_loop3A_330 to %parallel_loop3A_331 step %parallel_loop3A_332  : i32 {
        %parallel_loop3A_361 = arith.constant 0 : i32
        %parallel_loop3A_362 = vector.broadcast %parallel_loop3A_361 : i32 to vector<16xi32>
        %parallel_loop3A_363 = vector.broadcast %parallel_loop3A_360 : i32 to vector<16xi32>
        %parallel_loop3A_364 = arith.addi %parallel_loop3A_362, %parallel_loop3A_363 : vector<16xi32>
        %parallel_loop3A_365 = arith.constant 0 : i32
        %parallel_loop3A_366 = vector.broadcast %parallel_loop3A_365 : i32 to vector<16xi32>
        %parallel_loop3A_367 = arith.addi %iota3A, %parallel_loop3A_366 : vector<16xi32>
        %parallel_loop3A_368 = arith.constant 3 : i32
        %parallel_loop3A_369 = arith.index_cast %parallel_loop3A_368 : i32 to index
        %parallel_loop3A_370 = arith.index_cast %parallel_loop3A_360 : i32 to index
        %parallel_loop3A_371 = arith.constant 0 : index
        %parallel_loop3A_372 = tpu.vector_load %arg6[%parallel_loop3A_369, %parallel_loop3A_370, %parallel_loop3A_371] {strides = array<i32>} : memref<4x128x32xf32, #tpu.memory_space<vmem>>, vector<16xf32>,
        %parallel_loop3A_373 = arith.constant 8 : i32
        %parallel_loop3A_374 = vector.broadcast %parallel_loop3A_373 : i32 to vector<16xi32>
        %parallel_loop3A_375 = arith.divsi %parallel_loop3A_367, %parallel_loop3A_374 : vector<16xi32>
        %parallel_loop3A_376 = arith.constant 0 : i32
        %parallel_loop3A_377 = vector.broadcast %parallel_loop3A_376 : i32 to vector<16xi32>
        %parallel_loop3A_378 = arith.cmpi sgt, %parallel_loop3A_367, %parallel_loop3A_377 : vector<16xi32>
        %parallel_loop3A_379 = arith.extui %parallel_loop3A_378 : vector<16xi1> to vector<16xi32>
        %parallel_loop3A_380 = arith.constant 0 : i32
        %parallel_loop3A_381 = vector.broadcast %parallel_loop3A_380 : i32 to vector<16xi32>
        %parallel_loop3A_382 = arith.cmpi slt, %parallel_loop3A_367, %parallel_loop3A_381 : vector<16xi32>
        %parallel_loop3A_383 = arith.extui %parallel_loop3A_382 : vector<16xi1> to vector<16xi32>
        %parallel_loop3A_384 = arith.subi %parallel_loop3A_379, %parallel_loop3A_383 : vector<16xi32>
        %parallel_loop3A_385 = arith.constant 0 : i32
        %parallel_loop3A_386 = arith.cmpi sgt, %parallel_loop3A_373, %parallel_loop3A_385 : i32
        %parallel_loop3A_387 = arith.extui %parallel_loop3A_386 : i1 to i32
        %parallel_loop3A_388 = arith.constant 0 : i32
        %parallel_loop3A_389 = arith.cmpi slt, %parallel_loop3A_373, %parallel_loop3A_388 : i32
        %parallel_loop3A_390 = arith.extui %parallel_loop3A_389 : i1 to i32
        %parallel_loop3A_391 = arith.subi %parallel_loop3A_387, %parallel_loop3A_390 : i32
        %parallel_loop3A_392 = vector.broadcast %parallel_loop3A_391 : i32 to vector<16xi32>
        %parallel_loop3A_393 = arith.cmpi ne, %parallel_loop3A_384, %parallel_loop3A_392 : vector<16xi32>
        %parallel_loop3A_394 = vector.broadcast %parallel_loop3A_373 : i32 to vector<16xi32>
        %parallel_loop3A_395 = arith.remsi %parallel_loop3A_367, %parallel_loop3A_394 : vector<16xi32>
        %parallel_loop3A_396 = arith.constant 0 : i32
        %parallel_loop3A_397 = vector.broadcast %parallel_loop3A_396 : i32 to vector<16xi32>
        %parallel_loop3A_398 = arith.cmpi ne, %parallel_loop3A_395, %parallel_loop3A_397 : vector<16xi32>
        %parallel_loop3A_399 = arith.andi %parallel_loop3A_393, %parallel_loop3A_398 : vector<16xi1>
        %parallel_loop3A_400 = arith.constant 1 : i32
        %parallel_loop3A_401 = vector.broadcast %parallel_loop3A_400 : i32 to vector<16xi32>
        %parallel_loop3A_402 = arith.subi %parallel_loop3A_375, %parallel_loop3A_401 : vector<16xi32>
        %parallel_loop3A_403 = arith.select %parallel_loop3A_399, %parallel_loop3A_402, %parallel_loop3A_375 : vector<16xi1>, vector<16xi32>
        %parallel_loop3A_404 = arith.constant 8 : i32
        %parallel_loop3A_405 = arith.constant 0 : i32
        %parallel_loop3A_406 = arith.cmpi eq, %parallel_loop3A_404, %parallel_loop3A_405 : i32
        %parallel_loop3A_407 = arith.constant 1 : i32
        %parallel_loop3A_408 = arith.select %parallel_loop3A_406, %parallel_loop3A_407, %parallel_loop3A_404 : i32
        %parallel_loop3A_409 = vector.broadcast %parallel_loop3A_408 : i32 to vector<16xi32>
        %parallel_loop3A_410 = arith.remsi %parallel_loop3A_367, %parallel_loop3A_409 : vector<16xi32>
        %parallel_loop3A_411 = arith.constant 0 : i32
        %parallel_loop3A_412 = vector.broadcast %parallel_loop3A_411 : i32 to vector<16xi32>
        %parallel_loop3A_413 = arith.cmpi ne, %parallel_loop3A_410, %parallel_loop3A_412 : vector<16xi32>
        %parallel_loop3A_414 = arith.constant 0 : i32
        %parallel_loop3A_415 = vector.broadcast %parallel_loop3A_414 : i32 to vector<16xi32>
        %parallel_loop3A_416 = arith.cmpi slt, %parallel_loop3A_410, %parallel_loop3A_415 : vector<16xi32>
        %parallel_loop3A_417 = arith.constant 0 : i32
        %parallel_loop3A_418 = arith.cmpi slt, %parallel_loop3A_408, %parallel_loop3A_417 : i32
        %parallel_loop3A_419 = vector.broadcast %parallel_loop3A_418 : i1 to vector<16xi1>
        %parallel_loop3A_420 = vector.broadcast %parallel_loop3A_419 : vector<16xi1> to vector<16xi1>
        %parallel_loop3A_421 = arith.xori %parallel_loop3A_416, %parallel_loop3A_420 : vector<16xi1>
        %parallel_loop3A_422 = arith.andi %parallel_loop3A_421, %parallel_loop3A_413 : vector<16xi1>
        %parallel_loop3A_423 = vector.broadcast %parallel_loop3A_408 : i32 to vector<16xi32>
        %parallel_loop3A_424 = arith.addi %parallel_loop3A_410, %parallel_loop3A_423 : vector<16xi32>
        %parallel_loop3A_425 = arith.select %parallel_loop3A_422, %parallel_loop3A_424, %parallel_loop3A_410 : vector<16xi1>, vector<16xi32>
        %parallel_loop3A_426 = arith.constant 128 : i32
        %parallel_loop3A_427 = vector.broadcast %parallel_loop3A_426 : i32 to vector<16xi32>
        %parallel_loop3A_428 = arith.muli %parallel_loop3A_425, %parallel_loop3A_427 : vector<16xi32>
        %parallel_loop3A_429 = arith.addi %parallel_loop3A_428, %parallel_loop3A_364 : vector<16xi32>
        %parallel_loop3A_430 = arith.constant 3 : i32
        %parallel_loop3A_431 = arith.constant 0 : i32
        %parallel_loop3A_432 = arith.constant 0 : i32
        %parallel_loop3A_433 = tpu.memref_slice %arg7[%parallel_loop3A_430, %parallel_loop3A_431, %parallel_loop3A_432] : memref<4x4x1024xf32, #tpu.memory_space<vmem>> -> memref<1x4x1024xf32, #tpu.memory_space<vmem>>
        %parallel_loop3A_434 = tpu.memref_squeeze %parallel_loop3A_433 : memref<1x4x1024xf32, #tpu.memory_space<vmem>> -> memref<4x1024xf32, #tpu.memory_space<vmem>>
        tpu.vector_store_idx %parallel_loop3A_434[%parallel_loop3A_403, %parallel_loop3A_429], %parallel_loop3A_372 : memref<4x1024xf32, #tpu.memory_space<vmem>>[vector<16xi32>, vector<16xi32>], vector<16xf32>,
        %parallel_loop3A_435 = arith.constant 16 : i32
        %parallel_loop3A_436 = vector.broadcast %parallel_loop3A_435 : i32 to vector<16xi32>
        %parallel_loop3A_437 = arith.addi %iota3A, %parallel_loop3A_436 : vector<16xi32>
        %parallel_loop3A_438 = arith.constant 3 : i32
        %parallel_loop3A_439 = arith.index_cast %parallel_loop3A_438 : i32 to index
        %parallel_loop3A_440 = arith.index_cast %parallel_loop3A_360 : i32 to index
        %parallel_loop3A_441 = arith.constant 16 : index
        %parallel_loop3A_442 = tpu.vector_load %arg6[%parallel_loop3A_439, %parallel_loop3A_440, %parallel_loop3A_441] {strides = array<i32>} : memref<4x128x32xf32, #tpu.memory_space<vmem>>, vector<16xf32>,
        %parallel_loop3A_443 = arith.constant 8 : i32
        %parallel_loop3A_444 = vector.broadcast %parallel_loop3A_443 : i32 to vector<16xi32>
        %parallel_loop3A_445 = arith.divsi %parallel_loop3A_437, %parallel_loop3A_444 : vector<16xi32>
        %parallel_loop3A_446 = arith.constant 0 : i32
        %parallel_loop3A_447 = vector.broadcast %parallel_loop3A_446 : i32 to vector<16xi32>
        %parallel_loop3A_448 = arith.cmpi sgt, %parallel_loop3A_437, %parallel_loop3A_447 : vector<16xi32>
        %parallel_loop3A_449 = arith.extui %parallel_loop3A_448 : vector<16xi1> to vector<16xi32>
        %parallel_loop3A_450 = arith.constant 0 : i32
        %parallel_loop3A_451 = vector.broadcast %parallel_loop3A_450 : i32 to vector<16xi32>
        %parallel_loop3A_452 = arith.cmpi slt, %parallel_loop3A_437, %parallel_loop3A_451 : vector<16xi32>
        %parallel_loop3A_453 = arith.extui %parallel_loop3A_452 : vector<16xi1> to vector<16xi32>
        %parallel_loop3A_454 = arith.subi %parallel_loop3A_449, %parallel_loop3A_453 : vector<16xi32>
        %parallel_loop3A_455 = arith.constant 0 : i32
        %parallel_loop3A_456 = arith.cmpi sgt, %parallel_loop3A_443, %parallel_loop3A_455 : i32
        %parallel_loop3A_457 = arith.extui %parallel_loop3A_456 : i1 to i32
        %parallel_loop3A_458 = arith.constant 0 : i32
        %parallel_loop3A_459 = arith.cmpi slt, %parallel_loop3A_443, %parallel_loop3A_458 : i32
        %parallel_loop3A_460 = arith.extui %parallel_loop3A_459 : i1 to i32
        %parallel_loop3A_461 = arith.subi %parallel_loop3A_457, %parallel_loop3A_460 : i32
        %parallel_loop3A_462 = vector.broadcast %parallel_loop3A_461 : i32 to vector<16xi32>
        %parallel_loop3A_463 = arith.cmpi ne, %parallel_loop3A_454, %parallel_loop3A_462 : vector<16xi32>
        %parallel_loop3A_464 = vector.broadcast %parallel_loop3A_443 : i32 to vector<16xi32>
        %parallel_loop3A_465 = arith.remsi %parallel_loop3A_437, %parallel_loop3A_464 : vector<16xi32>
        %parallel_loop3A_466 = arith.constant 0 : i32
        %parallel_loop3A_467 = vector.broadcast %parallel_loop3A_466 : i32 to vector<16xi32>
        %parallel_loop3A_468 = arith.cmpi ne, %parallel_loop3A_465, %parallel_loop3A_467 : vector<16xi32>
        %parallel_loop3A_469 = arith.andi %parallel_loop3A_463, %parallel_loop3A_468 : vector<16xi1>
        %parallel_loop3A_470 = arith.constant 1 : i32
        %parallel_loop3A_471 = vector.broadcast %parallel_loop3A_470 : i32 to vector<16xi32>
        %parallel_loop3A_472 = arith.subi %parallel_loop3A_445, %parallel_loop3A_471 : vector<16xi32>
        %parallel_loop3A_473 = arith.select %parallel_loop3A_469, %parallel_loop3A_472, %parallel_loop3A_445 : vector<16xi1>, vector<16xi32>
        %parallel_loop3A_474 = arith.constant 8 : i32
        %parallel_loop3A_475 = arith.constant 0 : i32
        %parallel_loop3A_476 = arith.cmpi eq, %parallel_loop3A_474, %parallel_loop3A_475 : i32
        %parallel_loop3A_477 = arith.constant 1 : i32
        %parallel_loop3A_478 = arith.select %parallel_loop3A_476, %parallel_loop3A_477, %parallel_loop3A_474 : i32
        %parallel_loop3A_479 = vector.broadcast %parallel_loop3A_478 : i32 to vector<16xi32>
        %parallel_loop3A_480 = arith.remsi %parallel_loop3A_437, %parallel_loop3A_479 : vector<16xi32>
        %parallel_loop3A_481 = arith.constant 0 : i32
        %parallel_loop3A_482 = vector.broadcast %parallel_loop3A_481 : i32 to vector<16xi32>
        %parallel_loop3A_483 = arith.cmpi ne, %parallel_loop3A_480, %parallel_loop3A_482 : vector<16xi32>
        %parallel_loop3A_484 = arith.constant 0 : i32
        %parallel_loop3A_485 = vector.broadcast %parallel_loop3A_484 : i32 to vector<16xi32>
        %parallel_loop3A_486 = arith.cmpi slt, %parallel_loop3A_480, %parallel_loop3A_485 : vector<16xi32>
        %parallel_loop3A_487 = arith.constant 0 : i32
        %parallel_loop3A_488 = arith.cmpi slt, %parallel_loop3A_478, %parallel_loop3A_487 : i32
        %parallel_loop3A_489 = vector.broadcast %parallel_loop3A_488 : i1 to vector<16xi1>
        %parallel_loop3A_490 = vector.broadcast %parallel_loop3A_489 : vector<16xi1> to vector<16xi1>
        %parallel_loop3A_491 = arith.xori %parallel_loop3A_486, %parallel_loop3A_490 : vector<16xi1>
        %parallel_loop3A_492 = arith.andi %parallel_loop3A_491, %parallel_loop3A_483 : vector<16xi1>
        %parallel_loop3A_493 = vector.broadcast %parallel_loop3A_478 : i32 to vector<16xi32>
        %parallel_loop3A_494 = arith.addi %parallel_loop3A_480, %parallel_loop3A_493 : vector<16xi32>
        %parallel_loop3A_495 = arith.select %parallel_loop3A_492, %parallel_loop3A_494, %parallel_loop3A_480 : vector<16xi1>, vector<16xi32>
        %parallel_loop3A_496 = arith.constant 128 : i32
        %parallel_loop3A_497 = vector.broadcast %parallel_loop3A_496 : i32 to vector<16xi32>
        %parallel_loop3A_498 = arith.muli %parallel_loop3A_495, %parallel_loop3A_497 : vector<16xi32>
        %parallel_loop3A_499 = arith.addi %parallel_loop3A_498, %parallel_loop3A_364 : vector<16xi32>
        %parallel_loop3A_500 = arith.constant 3 : i32
        %parallel_loop3A_501 = arith.constant 0 : i32
        %parallel_loop3A_502 = arith.constant 0 : i32
        %parallel_loop3A_503 = tpu.memref_slice %arg7[%parallel_loop3A_500, %parallel_loop3A_501, %parallel_loop3A_502] : memref<4x4x1024xf32, #tpu.memory_space<vmem>> -> memref<1x4x1024xf32, #tpu.memory_space<vmem>>
        %parallel_loop3A_504 = tpu.memref_squeeze %parallel_loop3A_503 : memref<1x4x1024xf32, #tpu.memory_space<vmem>> -> memref<4x1024xf32, #tpu.memory_space<vmem>>
        tpu.vector_store_idx %parallel_loop3A_504[%parallel_loop3A_473, %parallel_loop3A_499], %parallel_loop3A_442 : memref<4x1024xf32, #tpu.memory_space<vmem>>[vector<16xi32>, vector<16xi32>], vector<16xf32>,
      } {sc.loop_unroll_factor = 1 : i64, sc.parallel_access}
      %mul3A_333 = arith.constant 1024 : i32
      %mul3A_334 = arith.muli %add3A, %mul3A_333 : i32
      %dma_start3A_335 = arith.constant 3 : i32
      %dma_start3A_336 = arith.constant 3 : i32
      %dma_start3A_337 = arith.constant 0 : i32
      %dma_start3A_338 = arith.constant 0 : i32
      %dma_start3A_339 = tpu.memref_slice %arg7[%dma_start3A_335, %dma_start3A_337, %dma_start3A_338] : memref<4x4x1024xf32, #tpu.memory_space<vmem>> -> memref<1x4x1024xf32, #tpu.memory_space<vmem>>
      %dma_start3A_340 = tpu.memref_squeeze %dma_start3A_339 : memref<1x4x1024xf32, #tpu.memory_space<vmem>> -> memref<4x1024xf32, #tpu.memory_space<vmem>>
      %dma_start3A_341 = arith.constant 0 : i32
      %dma_start3A_342 = tpu.memref_slice %arg4[%add3A_310, %dma_start3A_341, %mul3A_334] : memref<200x4x32768xf32, #tpu.memory_space<hbm>> -> memref<1x4x1024xf32, #tpu.memory_space<hbm>>
      %dma_start3A_343 = tpu.memref_squeeze %dma_start3A_342 : memref<1x4x1024xf32, #tpu.memory_space<hbm>> -> memref<4x1024xf32, #tpu.memory_space<hbm>>
      %dma_start3A_344 = tpu.memref_slice %arg10[%dma_start3A_336] : memref<4x!tpu.dma_semaphore, #tpu.memory_space<semaphore_mem>> -> memref<1x!tpu.dma_semaphore, #tpu.memory_space<semaphore_mem>>
      %dma_start3A_345 = tpu.memref_squeeze %dma_start3A_344 : memref<1x!tpu.dma_semaphore, #tpu.memory_space<semaphore_mem>> -> memref<!tpu.dma_semaphore, #tpu.memory_space<semaphore_mem>>
      %dma_start3A_346 = arith.constant 0 : i32
      %dma_start3A_347 = tpu.memref_slice %arg4[%add3A_310, %dma_start3A_346, %mul3A_334] : memref<200x4x32768xf32, #tpu.memory_space<hbm>> -> memref<1x4x1024xf32, #tpu.memory_space<hbm>>
      %dma_start3A_348 = tpu.memref_squeeze %dma_start3A_347 : memref<1x4x1024xf32, #tpu.memory_space<hbm>> -> memref<4x1024xf32, #tpu.memory_space<hbm>>
      %dma_start3A_349 = arith.constant 0 : i32
      %dma_start3A_350 = arith.constant 0 : i32
      %dma_start3A_351 = tpu.memref_slice %arg7[%dma_start3A_335, %dma_start3A_349, %dma_start3A_350] : memref<4x4x1024xf32, #tpu.memory_space<vmem>> -> memref<1x4x1024xf32, #tpu.memory_space<vmem>>
      %dma_start3A_352 = tpu.memref_squeeze %dma_start3A_351 : memref<1x4x1024xf32, #tpu.memory_space<vmem>> -> memref<4x1024xf32, #tpu.memory_space<vmem>>
      tpu.enqueue_dma source(%dma_start3A_352 : memref<4x1024xf32, #tpu.memory_space<vmem>>) target(%dma_start3A_348 : memref<4x1024xf32, #tpu.memory_space<hbm>>) target_semaphore(%dma_start3A_345 : memref<!tpu.dma_semaphore, #tpu.memory_space<semaphore_mem>>)
      %add3A_353 = arith.constant 4 : i32
      %add3A_354 = arith.addi %add3A_310, %add3A_353 : i32
      %lt3A_355 = arith.constant 200 : i32
      %lt3A_356 = arith.cmpi slt, %add3A_354, %lt3A_355 : i32
      %convert_element_type3A_357 = arith.extui %lt3A_356 : i1 to i32
      %cond3A_358 = arith.constant 0 : i32
      %cond3A_359 = arith.cmpi ne, %convert_element_type3A_357, %cond3A_358 : i32
      scf.if %cond3A_359 {
        %add3A_360 = arith.constant 4 : i32
        %add3A_361 = arith.addi %add3A_310, %add3A_360 : i32
        %dma_start3A_362 = arith.constant 3 : i32
        %dma_start3A_363 = arith.constant 3 : i32
        %dma_start3A_364 = arith.constant 0 : i32
        %dma_start3A_365 = arith.constant 0 : i32
        %dma_start3A_366 = tpu.memref_slice %arg6[%dma_start3A_362, %dma_start3A_364, %dma_start3A_365] : memref<4x128x32xf32, #tpu.memory_space<vmem>> -> memref<1x128x32xf32, #tpu.memory_space<vmem>>
        %dma_start3A_367 = tpu.memref_squeeze %dma_start3A_366 : memref<1x128x32xf32, #tpu.memory_space<vmem>> -> memref<128x32xf32, #tpu.memory_space<vmem>>
        %dma_start3A_368 = arith.constant 0 : i32
        %dma_start3A_369 = tpu.memref_slice %arg5[%add3A_361, %dma_start3A_368] : memref<200x128xi32, #tpu.memory_space<vmem>> -> memref<1x128xi32, #tpu.memory_space<vmem>>
        %dma_start3A_370 = tpu.memref_squeeze %dma_start3A_369 : memref<1x128xi32, #tpu.memory_space<vmem>> -> memref<128xi32, #tpu.memory_space<vmem>>
        %dma_start3A_371 = arith.constant 0 : i32
        %dma_start3A_372 = arith.constant 0 : i32
        %dma_start3A_373 = tpu.memref_slice %arg3[%dma_start3A_371, %dma_start3A_372] : memref<1000000x32xf32, #tpu.memory_space<hbm>> -> memref<1000000x32xf32, #tpu.memory_space<hbm>>
        %dma_start3A_374 = tpu.memref_slice %arg9[%dma_start3A_363] : memref<4x!tpu.dma_semaphore, #tpu.memory_space<semaphore_mem>> -> memref<1x!tpu.dma_semaphore, #tpu.memory_space<semaphore_mem>>
        %dma_start3A_375 = tpu.memref_squeeze %dma_start3A_374 : memref<1x!tpu.dma_semaphore, #tpu.memory_space<semaphore_mem>> -> memref<!tpu.dma_semaphore, #tpu.memory_space<semaphore_mem>>
        tpu.enqueue_indirect_dma source(%dma_start3A_373 : memref<1000000x32xf32, #tpu.memory_space<hbm>>) target(%dma_start3A_367 : memref<128x32xf32, #tpu.memory_space<vmem>>) offsets(%dma_start3A_370 : memref<128xi32, #tpu.memory_space<vmem>>) semaphore(%dma_start3A_375 : memref<!tpu.dma_semaphore, #tpu.memory_space<semaphore_mem>>)
      } else {
      }
    }
    %scan3A_73 = arith.constant 50 : i32
    %mul3A_74 = arith.constant 1024 : i32
    %mul3A_75 = arith.muli %add3A, %mul3A_74 : i32
    %dma_wait3A_76 = arith.constant 0 : i32
    %dma_wait3A_77 = arith.constant 196 : i32
    %dma_wait3A_78 = arith.constant 0 : i32
    %dma_wait3A_79 = arith.constant 0 : i32
    %dma_wait3A_80 = arith.constant 0 : i32
    %dma_wait3A_81 = tpu.memref_slice %arg7[%dma_wait3A_76, %dma_wait3A_79, %dma_wait3A_80] : memref<4x4x1024xf32, #tpu.memory_space<vmem>> -> memref<1x4x1024xf32, #tpu.memory_space<vmem>>
    %dma_wait3A_82 = tpu.memref_squeeze %dma_wait3A_81 : memref<1x4x1024xf32, #tpu.memory_space<vmem>> -> memref<4x1024xf32, #tpu.memory_space<vmem>>
    %dma_wait3A_83 = arith.constant 0 : i32
    %dma_wait3A_84 = tpu.memref_slice %arg4[%dma_wait3A_77, %dma_wait3A_83, %mul3A_75] : memref<200x4x32768xf32, #tpu.memory_space<hbm>> -> memref<1x4x1024xf32, #tpu.memory_space<hbm>>
    %dma_wait3A_85 = tpu.memref_squeeze %dma_wait3A_84 : memref<1x4x1024xf32, #tpu.memory_space<hbm>> -> memref<4x1024xf32, #tpu.memory_space<hbm>>
    %dma_wait3A_86 = tpu.memref_slice %arg10[%dma_wait3A_78] : memref<4x!tpu.dma_semaphore, #tpu.memory_space<semaphore_mem>> -> memref<1x!tpu.dma_semaphore, #tpu.memory_space<semaphore_mem>>
    %dma_wait3A_87 = tpu.memref_squeeze %dma_wait3A_86 : memref<1x!tpu.dma_semaphore, #tpu.memory_space<semaphore_mem>> -> memref<!tpu.dma_semaphore, #tpu.memory_space<semaphore_mem>>
    %dma_wait3A_88 = arith.constant 0 : i32
    %dma_wait3A_89 = tpu.memref_slice %arg4[%dma_wait3A_77, %dma_wait3A_88, %mul3A_75] : memref<200x4x32768xf32, #tpu.memory_space<hbm>> -> memref<1x4x1024xf32, #tpu.memory_space<hbm>>
    %dma_wait3A_90 = tpu.memref_squeeze %dma_wait3A_89 : memref<1x4x1024xf32, #tpu.memory_space<hbm>> -> memref<4x1024xf32, #tpu.memory_space<hbm>>
    %dma_wait3A_91 = arith.constant 0 : i32
    %dma_wait3A_92 = arith.constant 0 : i32
    %dma_wait3A_93 = tpu.memref_slice %arg7[%dma_wait3A_76, %dma_wait3A_91, %dma_wait3A_92] : memref<4x4x1024xf32, #tpu.memory_space<vmem>> -> memref<1x4x1024xf32, #tpu.memory_space<vmem>>
    %dma_wait3A_94 = tpu.memref_squeeze %dma_wait3A_93 : memref<1x4x1024xf32, #tpu.memory_space<vmem>> -> memref<4x1024xf32, #tpu.memory_space<vmem>>
    tpu.wait_dma2 semaphore(%dma_wait3A_87 : memref<!tpu.dma_semaphore, #tpu.memory_space<semaphore_mem>>) src(%dma_wait3A_94 : memref<4x1024xf32, #tpu.memory_space<vmem>>) dst(%dma_wait3A_90 : memref<4x1024xf32, #tpu.memory_space<hbm>>)
    %mul3A_95 = arith.constant 1024 : i32
    %mul3A_96 = arith.muli %add3A, %mul3A_95 : i32
    %dma_wait3A_97 = arith.constant 1 : i32
    %dma_wait3A_98 = arith.constant 197 : i32
    %dma_wait3A_99 = arith.constant 1 : i32
    %dma_wait3A_100 = arith.constant 0 : i32
    %dma_wait3A_101 = arith.constant 0 : i32
    %dma_wait3A_102 = tpu.memref_slice %arg7[%dma_wait3A_97, %dma_wait3A_100, %dma_wait3A_101] : memref<4x4x1024xf32, #tpu.memory_space<vmem>> -> memref<1x4x1024xf32, #tpu.memory_space<vmem>>
    %dma_wait3A_103 = tpu.memref_squeeze %dma_wait3A_102 : memref<1x4x1024xf32, #tpu.memory_space<vmem>> -> memref<4x1024xf32, #tpu.memory_space<vmem>>
    %dma_wait3A_104 = arith.constant 0 : i32
    %dma_wait3A_105 = tpu.memref_slice %arg4[%dma_wait3A_98, %dma_wait3A_104, %mul3A_96] : memref<200x4x32768xf32, #tpu.memory_space<hbm>> -> memref<1x4x1024xf32, #tpu.memory_space<hbm>>
    %dma_wait3A_106 = tpu.memref_squeeze %dma_wait3A_105 : memref<1x4x1024xf32, #tpu.memory_space<hbm>> -> memref<4x1024xf32, #tpu.memory_space<hbm>>
    %dma_wait3A_107 = tpu.memref_slice %arg10[%dma_wait3A_99] : memref<4x!tpu.dma_semaphore, #tpu.memory_space<semaphore_mem>> -> memref<1x!tpu.dma_semaphore, #tpu.memory_space<semaphore_mem>>
    %dma_wait3A_108 = tpu.memref_squeeze %dma_wait3A_107 : memref<1x!tpu.dma_semaphore, #tpu.memory_space<semaphore_mem>> -> memref<!tpu.dma_semaphore, #tpu.memory_space<semaphore_mem>>
    %dma_wait3A_109 = arith.constant 0 : i32
    %dma_wait3A_110 = tpu.memref_slice %arg4[%dma_wait3A_98, %dma_wait3A_109, %mul3A_96] : memref<200x4x32768xf32, #tpu.memory_space<hbm>> -> memref<1x4x1024xf32, #tpu.memory_space<hbm>>
    %dma_wait3A_111 = tpu.memref_squeeze %dma_wait3A_110 : memref<1x4x1024xf32, #tpu.memory_space<hbm>> -> memref<4x1024xf32, #tpu.memory_space<hbm>>
    %dma_wait3A_112 = arith.constant 0 : i32
    %dma_wait3A_113 = arith.constant 0 : i32
    %dma_wait3A_114 = tpu.memref_slice %arg7[%dma_wait3A_97, %dma_wait3A_112, %dma_wait3A_113] : memref<4x4x1024xf32, #tpu.memory_space<vmem>> -> memref<1x4x1024xf32, #tpu.memory_space<vmem>>
    %dma_wait3A_115 = tpu.memref_squeeze %dma_wait3A_114 : memref<1x4x1024xf32, #tpu.memory_space<vmem>> -> memref<4x1024xf32, #tpu.memory_space<vmem>>
    tpu.wait_dma2 semaphore(%dma_wait3A_108 : memref<!tpu.dma_semaphore, #tpu.memory_space<semaphore_mem>>) src(%dma_wait3A_115 : memref<4x1024xf32, #tpu.memory_space<vmem>>) dst(%dma_wait3A_111 : memref<4x1024xf32, #tpu.memory_space<hbm>>)
    %mul3A_116 = arith.constant 1024 : i32
    %mul3A_117 = arith.muli %add3A, %mul3A_116 : i32
    %dma_wait3A_118 = arith.constant 2 : i32
    %dma_wait3A_119 = arith.constant 198 : i32
    %dma_wait3A_120 = arith.constant 2 : i32
    %dma_wait3A_121 = arith.constant 0 : i32
    %dma_wait3A_122 = arith.constant 0 : i32
    %dma_wait3A_123 = tpu.memref_slice %arg7[%dma_wait3A_118, %dma_wait3A_121, %dma_wait3A_122] : memref<4x4x1024xf32, #tpu.memory_space<vmem>> -> memref<1x4x1024xf32, #tpu.memory_space<vmem>>
    %dma_wait3A_124 = tpu.memref_squeeze %dma_wait3A_123 : memref<1x4x1024xf32, #tpu.memory_space<vmem>> -> memref<4x1024xf32, #tpu.memory_space<vmem>>
    %dma_wait3A_125 = arith.constant 0 : i32
    %dma_wait3A_126 = tpu.memref_slice %arg4[%dma_wait3A_119, %dma_wait3A_125, %mul3A_117] : memref<200x4x32768xf32, #tpu.memory_space<hbm>> -> memref<1x4x1024xf32, #tpu.memory_space<hbm>>
    %dma_wait3A_127 = tpu.memref_squeeze %dma_wait3A_126 : memref<1x4x1024xf32, #tpu.memory_space<hbm>> -> memref<4x1024xf32, #tpu.memory_space<hbm>>
    %dma_wait3A_128 = tpu.memref_slice %arg10[%dma_wait3A_120] : memref<4x!tpu.dma_semaphore, #tpu.memory_space<semaphore_mem>> -> memref<1x!tpu.dma_semaphore, #tpu.memory_space<semaphore_mem>>
    %dma_wait3A_129 = tpu.memref_squeeze %dma_wait3A_128 : memref<1x!tpu.dma_semaphore, #tpu.memory_space<semaphore_mem>> -> memref<!tpu.dma_semaphore, #tpu.memory_space<semaphore_mem>>
    %dma_wait3A_130 = arith.constant 0 : i32
    %dma_wait3A_131 = tpu.memref_slice %arg4[%dma_wait3A_119, %dma_wait3A_130, %mul3A_117] : memref<200x4x32768xf32, #tpu.memory_space<hbm>> -> memref<1x4x1024xf32, #tpu.memory_space<hbm>>
    %dma_wait3A_132 = tpu.memref_squeeze %dma_wait3A_131 : memref<1x4x1024xf32, #tpu.memory_space<hbm>> -> memref<4x1024xf32, #tpu.memory_space<hbm>>
    %dma_wait3A_133 = arith.constant 0 : i32
    %dma_wait3A_134 = arith.constant 0 : i32
    %dma_wait3A_135 = tpu.memref_slice %arg7[%dma_wait3A_118, %dma_wait3A_133, %dma_wait3A_134] : memref<4x4x1024xf32, #tpu.memory_space<vmem>> -> memref<1x4x1024xf32, #tpu.memory_space<vmem>>
    %dma_wait3A_136 = tpu.memref_squeeze %dma_wait3A_135 : memref<1x4x1024xf32, #tpu.memory_space<vmem>> -> memref<4x1024xf32, #tpu.memory_space<vmem>>
    tpu.wait_dma2 semaphore(%dma_wait3A_129 : memref<!tpu.dma_semaphore, #tpu.memory_space<semaphore_mem>>) src(%dma_wait3A_136 : memref<4x1024xf32, #tpu.memory_space<vmem>>) dst(%dma_wait3A_132 : memref<4x1024xf32, #tpu.memory_space<hbm>>)
    %mul3A_137 = arith.constant 1024 : i32
    %mul3A_138 = arith.muli %add3A, %mul3A_137 : i32
    %dma_wait3A_139 = arith.constant 3 : i32
    %dma_wait3A_140 = arith.constant 199 : i32
    %dma_wait3A_141 = arith.constant 3 : i32
    %dma_wait3A_142 = arith.constant 0 : i32
    %dma_wait3A_143 = arith.constant 0 : i32
    %dma_wait3A_144 = tpu.memref_slice %arg7[%dma_wait3A_139, %dma_wait3A_142, %dma_wait3A_143] : memref<4x4x1024xf32, #tpu.memory_space<vmem>> -> memref<1x4x1024xf32, #tpu.memory_space<vmem>>
    %dma_wait3A_145 = tpu.memref_squeeze %dma_wait3A_144 : memref<1x4x1024xf32, #tpu.memory_space<vmem>> -> memref<4x1024xf32, #tpu.memory_space<vmem>>
    %dma_wait3A_146 = arith.constant 0 : i32
    %dma_wait3A_147 = tpu.memref_slice %arg4[%dma_wait3A_140, %dma_wait3A_146, %mul3A_138] : memref<200x4x32768xf32, #tpu.memory_space<hbm>> -> memref<1x4x1024xf32, #tpu.memory_space<hbm>>
    %dma_wait3A_148 = tpu.memref_squeeze %dma_wait3A_147 : memref<1x4x1024xf32, #tpu.memory_space<hbm>> -> memref<4x1024xf32, #tpu.memory_space<hbm>>
    %dma_wait3A_149 = tpu.memref_slice %arg10[%dma_wait3A_141] : memref<4x!tpu.dma_semaphore, #tpu.memory_space<semaphore_mem>> -> memref<1x!tpu.dma_semaphore, #tpu.memory_space<semaphore_mem>>
    %dma_wait3A_150 = tpu.memref_squeeze %dma_wait3A_149 : memref<1x!tpu.dma_semaphore, #tpu.memory_space<semaphore_mem>> -> memref<!tpu.dma_semaphore, #tpu.memory_space<semaphore_mem>>
    %dma_wait3A_151 = arith.constant 0 : i32
    %dma_wait3A_152 = tpu.memref_slice %arg4[%dma_wait3A_140, %dma_wait3A_151, %mul3A_138] : memref<200x4x32768xf32, #tpu.memory_space<hbm>> -> memref<1x4x1024xf32, #tpu.memory_space<hbm>>
    %dma_wait3A_153 = tpu.memref_squeeze %dma_wait3A_152 : memref<1x4x1024xf32, #tpu.memory_space<hbm>> -> memref<4x1024xf32, #tpu.memory_space<hbm>>
    %dma_wait3A_154 = arith.constant 0 : i32
    %dma_wait3A_155 = arith.constant 0 : i32
    %dma_wait3A_156 = tpu.memref_slice %arg7[%dma_wait3A_139, %dma_wait3A_154, %dma_wait3A_155] : memref<4x4x1024xf32, #tpu.memory_space<vmem>> -> memref<1x4x1024xf32, #tpu.memory_space<vmem>>
    %dma_wait3A_157 = tpu.memref_squeeze %dma_wait3A_156 : memref<1x4x1024xf32, #tpu.memory_space<vmem>> -> memref<4x1024xf32, #tpu.memory_space<vmem>>
    tpu.wait_dma2 semaphore(%dma_wait3A_150 : memref<!tpu.dma_semaphore, #tpu.memory_space<semaphore_mem>>) src(%dma_wait3A_157 : memref<4x1024xf32, #tpu.memory_space<vmem>>) dst(%dma_wait3A_153 : memref<4x1024xf32, #tpu.memory_space<hbm>>)
    return
  }
}

</mosaic_0001>

<sc_bundles>
// kernel: kernel.3.cloned.1.call-start
scs
__scs_entry_jumppad:
0x0: {  	(pc) =	sbr.rel $0x88, $3  }
0x1: {  	(tag) =	ssettag $0x0;
	lr =	simm.s32 $0x1  }
0x2: {  	[smem:$0x3F9F] =	sst lr;
	_ =	strace $0xD0000000  }
0x3: {  	_ = 	snop  }
0x4: {  	_ = 	snop  }
0x5: {  	_ = 	snop  }
0x6: {  	_ = 	snop  }
0x7: {  	_ = 	snop  }
__scs_overlays_trampoline_lowered:
0x8: {  	[smem:$0x3FAE] =	sst s0  }
0x9: {  	[smem:$0x3FAF] =	sst s1  }
0xa: {  	[smem:$0x3FB0] =	sst s2  }
0xb: {  	[smem:$0x3FB1] =	sst s3  }
0xc: {  	[smem:$0x3FB2] =	sst s4  }
0xd: {  	[smem:$0x3FB3] =	sst s5  }
0xe: {  	[smem:$0x3FB4] =	sst s6  }
0xf: {  	[smem:$0x3FB5] =	sst s7  }
0x10: {  	[smem:$0x3FB6] =	sst s8  }
0x11: {  	[smem:$0x3FB7] =	sst s9;
	s0 =	simm.s32 @!p0 $0x0  }
0x12: {  	s1 =	sld [smem:$0x3F9D];
	s0 =	simm.s32 @p0 $0x1  }
0x13: {  	[smem:$0x3FB8] =	sst s0;
	s0 =	simm.s32 @!p1 $0x0  }
0x14: {  	s2 =	sld [smem:$0x3F9C];
	s0 =	simm.s32 @p1 $0x1  }
0x15: {  	[smem:$0x3FB9] =	sst s0;
	s0 =	simm.s32 @!p2 $0x0  }
0x16: {  	s3 =	sld [smem:$0x3FDB];
	s0 =	simm.s32 @p2 $0x1  }
0x17: {  	s4 =	simm.s32 $0x1BF5;
	[smem:$0x3FBB] =	sst s0  }
0x18: {  	s0 =	sld [smem:$0x3F9E];
	_ =	swait.ge [sflag:s4], $0x0  }
0x19: {  	s7 =	sld [smem:$0x3F9F]  }
0x1a: {  	s8 =	sadd.s32 $0xFFFFE003, lr  }
0x1b: {  	s9 =	sadd.s32 $0xFFFFFEF7, lr;
	s5 =	simm.s32 $0xFFFFFFFF;
	p2 =	slt.u32 s8, $0xFFFFF086  }
0x1c: {  	p1 =	slt.u32 s9, $0xF7A;
	s5 =	simm.s32 @!p2 $0x0  }
0x1d: {  	s5 =	simm.s32 @p1 $0x1;
	p0 =	seq.s32 s7, s2  }
0x1e: {  	s7 =	smul.u32 @!p0 $0xF7A, s2;
	p2 =	seq.s32 @!p0 s5, $0x0  }
0x1f: {  	s9 =	smul.u32 $0xF7A, s1;
	s8 =	simm.s32 @!p0 $0x1BF5;
	p2 =	por !p2, p0  }
0x20: {  	[sflag:s8] =	ssyncset.s32 @!p0 $0xFFFFF086;
	s6 =	sadd.s32 @!p0 s3, s7;
	s7 =	simm.s32 @!p0 $0x108  }
0x21: {  	s3 =	sadd.s32 s3, s9;
	s6 =	sadd.s32 @!p0 $0x88, s6;
	s7 =	simm.s32 @p2 $0x1082  }
0x22: {  	[simem:s7], [sflag:s8] =	dma.local @!p0 [hbm:s6], $0xF7A  }
0x23: {  	s9 =	sor.u32 $0xD0000000, s2;
	s6 =	simm.s32 $0x108;
	_ =	swait.ge @!p0 [sflag:s8], $0x0  }
0x24: {  	s3 =	sadd.s32 $0x88, s3;
	s6 =	simm.s32 @!p1 $0x1082;
	[sflag:s4] =	ssyncset.s32 $0xFFFFF086  }
0x25: {  	[simem:s6], [sflag:s4] =	dma.local [hbm:s3], $0xF7A  }
0x26: {  	[smem:$0x3F9F] =	sst s1;
	(tag) =	ssettag s2;
	_ =	strace s9  }
0x27: {  	s1 =	sld [smem:$0x3FAF]  }
0x28: {  	s2 =	sld [smem:$0x3FB0]  }
0x29: {  	s4 =	sld [smem:$0x3FB2]  }
0x2a: {  	p0 =	seq.s32 s5, $0x0;
	s5 =	sld [smem:$0x3FB3]  }
0x2b: {  	s6 =	sld [smem:$0x3FB4]  }
0x2c: {  	s7 =	sld [smem:$0x3FB5]  }
0x2d: {  	s3 =	simm.s32 $0x108;
	s8 =	sld [smem:$0x3FB6]  }
0x2e: {  	s3 =	simm.s32 @!p0 $0x1082;
	s9 =	sld [smem:$0x3FB7]  }
0x2f: {  	lr =	sadd.s32 s0, s3;
	s0 =	sld [smem:$0x3FAE]  }
0x30: {  	s3 =	sld [smem:$0x3FB1]  }
0x31: {  	[smem:$0x3FBA] =	sst s10  }
0x32: {  	s10 =	sld [smem:$0x3FB8];
	_ =	sdelay $0x3  }
0x33: {  	p0 =	seq.s32 s10, $0x1;
	s10 =	sld [smem:$0x3FBA];
	_ =	sdelay $0x3  }
0x34: {  	[smem:$0x3FBA] =	sst s10  }
0x35: {  	s10 =	sld [smem:$0x3FB9];
	_ =	sdelay $0x3  }
0x36: {  	p1 =	seq.s32 s10, $0x1;
	s10 =	sld [smem:$0x3FBA];
	_ =	sdelay $0x3  }
0x37: {  	[smem:$0x3FBA] =	sst s10  }
0x38: {  	s10 =	sld [smem:$0x3FBB]  }
0x39: {  	_ = 	snop;
	(pc) =	sbr.ind lr, $3  }
0x3a: {  	_ = 	snop  }
0x3b: {  	_ = 	snop  }
0x3c: {  	p2 =	seq.s32 s10, $0x1;
	s10 =	sld [smem:$0x3FBA]  }
0x3d: {  	_ =	shalt  }
0x3e: {  	_ =	shalt  }
0x3f: {  	_ =	shalt  }
0x40: {  	_ =	shalt  }
0x41: {  	_ =	shalt  }
0x42: {  	_ =	shalt  }
0x43: {  	_ =	shalt  }
0x44: {  	_ =	shalt  }
0x45: {  	_ =	shalt  }
0x46: {  	_ =	shalt  }
0x47: {  	_ =	shalt  }
0x48: {  	_ =	shalt  }
0x49: {  	_ =	shalt  }
0x4a: {  	_ =	shalt  }
0x4b: {  	_ =	shalt  }
0x4c: {  	_ =	shalt  }
0x4d: {  	_ =	shalt  }
0x4e: {  	_ =	shalt  }
0x4f: {  	_ =	shalt  }
0x50: {  	_ =	shalt  }
0x51: {  	_ =	shalt  }
0x52: {  	_ =	shalt  }
0x53: {  	_ =	shalt  }
0x54: {  	_ =	shalt  }
0x55: {  	_ =	shalt  }
0x56: {  	_ =	shalt  }
0x57: {  	_ =	shalt  }
0x58: {  	_ =	shalt  }
0x59: {  	_ =	shalt  }
0x5a: {  	_ =	shalt  }
0x5b: {  	_ =	shalt  }
0x5c: {  	_ =	shalt  }
0x5d: {  	_ =	shalt  }
0x5e: {  	_ =	shalt  }
0x5f: {  	_ =	shalt  }
0x60: {  	_ =	shalt  }
0x61: {  	_ =	shalt  }
0x62: {  	_ =	shalt  }
0x63: {  	_ =	shalt  }
0x64: {  	_ =	shalt  }
0x65: {  	_ =	shalt  }
0x66: {  	_ =	shalt  }
0x67: {  	_ =	shalt  }
0x68: {  	_ =	shalt  }
0x69: {  	_ =	shalt  }
0x6a: {  	_ =	shalt  }
0x6b: {  	_ =	shalt  }
0x6c: {  	_ =	shalt  }
0x6d: {  	_ =	shalt  }
0x6e: {  	_ =	shalt  }
0x6f: {  	_ =	shalt  }
0x70: {  	_ =	shalt  }
0x71: {  	_ =	shalt  }
0x72: {  	_ =	shalt  }
0x73: {  	_ =	shalt  }
0x74: {  	_ =	shalt  }
0x75: {  	_ =	shalt  }
0x76: {  	_ =	shalt  }
0x77: {  	_ =	shalt  }
0x78: {  	_ =	shalt  }
0x79: {  	_ =	shalt  }
0x7a: {  	_ =	shalt  }
0x7b: {  	_ =	shalt  }
0x7c: {  	_ =	shalt  }
0x7d: {  	_ =	shalt  }
0x7e: {  	_ =	shalt  }
0x7f: {  	_ =	shalt  }
0x80: {  	_ =	shalt  }
0x81: {  	_ =	shalt  }
0x82: {  	_ =	shalt  }
0x83: {  	_ =	shalt  }
0x84: {  	_ =	shalt  }
0x85: {  	_ =	shalt  }
0x86: {  	_ =	shalt  }
0x87: {  	_ =	shalt  }
.Lfunc_end0:
.L_simem_size_0:
called_computation_lowered:
.L_overlay_start_0:
0x88: {  	s2 =	sld [smem:$0x3FD9]  }
0x89: {  	s3 =	sld [smem:$0x3FFE];
	_ =	sdelay $0x1  }
0x8a: {  	s1 =	srdreg.scid  }
0x8b: {  	s0 =	sand.u32 $0x1, s1  }
0x8c: {  	s17 =	sshll.u32 s0, $0xA;
	s2 =	sadd.s32 s3, s2  }
0x8d: {  	s2 =	sadd.s32 s2, s17  }
0x8e: {  	[smem:$0x3FC6] =	sst s2  }
0x8f: {  	_ = 	snop  }
0x90: {  	s2 =	sld [smem:$0x3FD0];
	(tm) =	ssettm $0x1  }
0x91: {  	s18 =	sld [smem:$0x3FFB];
	_ =	sdelay $0x3  }
0x92: {  	_ =	strace s18  }
0x93: {  	s3 =	sld [smem:$0x3FFC];
	_ =	sdelay $0x3  }
0x94: {  	_ =	strace s3  }
0x95: {  	s3 =	sld [smem:$0x3FFD];
	_ =	sdelay $0x3  }
0x96: {  	_ =	strace s3  }
0x97: {  	_ =	strace $0x8FFFFFFF  }
0x98: {  	s19 =	sld [smem:$0x3FDB];
	_ =	sdelay $0x1  }
0x99: {  	s4 =	simm.s32 $_scs_section_size  }
0x9a: {  	s5 =	simm.s32 $_size__tile_overlayer_lowered;
	s6 =	simm.s32 $_tile_overlayer_lowered  }
0x9b: {  	s22 =	simm.s32 $0x1BFF;
	s21 =	sshll.u32 s6, $0x1;
	s3 =	sadd.s32 s4, s19  }
0x9c: {  	s7 =	simm.s32 $0x0;
	s20 =	sshll.u32 s5, $0x1;
	s5 =	sadd.s32 s21, s3  }
0x9d: {  	[timem:s7], [sflag:s22] =	dma.local [hbm:s5], s20  }
0x9e: {  	_ =	swait.ge [sflag:s22], s20  }
0x9f: {  	s4 =	ssub.s32 $0x0, s20;
	[sflag:s22] =	ssyncset.done $0x0  }
0xa0: {  	[sflag:s22] =	ssyncadd.s32 s4;
	_ =	sdelay $0x1  }
0xa1: {  	s23 =	simm.s32 $0x1B8B  }
0xa2: {  	_ =	swait.ge [sflag:s23], $0x1  }
0xa3: {  	[sflag:s23] =	ssyncset.done $0x0  }
0xa4: {  	s25 =	simm.s32 $0x1B8E;
	s24 =	sld [smem:$0x3FFE];
	[sflag:s23] =	ssyncadd.s32 $0xFFFFFFFF  }
0xa5: {  	s26 =	simm.s32 $execute0_lowered;
	[smem:$0x3FD2] =	sst s25  }
0xa6: {  	s5 =	sshll.u32 s26, $0x1;
	_ =	strace $0x80000046;
	[dreg:$0x1] =	wrdreg $0xFFFFFFFF  }
0xa7: {  	s28 =	simm.s32 $_size_execute0_lowered;
	s3 =	sadd.s32 s3, s5;
	[dreg:$0x0] =	wrdreg $0x0  }
0xa8: {  	s5 =	sshll.u32 s28, $0x1;
	[dreg:$0x2] =	wrdreg s3  }
0xa9: {  	[dreg:$0x3] =	wrdreg s5  }
0xaa: {  	[dreg:$0x4] =	wrdreg $0xC0  }
0xab: {  	_ =	task [dreg:s7], $0x5FFFF  }
0xac: {  	[dreg:$0x1] =	wrdreg $0xFFFFFFFF  }
0xad: {  	[dreg:$0x0] =	wrdreg $0x60  }
0xae: {  	[dreg:$0x2] =	wrdreg s24  }
0xaf: {  	[dreg:$0x3] =	wrdreg s2  }
0xb0: {  	[dreg:$0x4] =	wrdreg $0x9  }
0xb1: {  	_ =	task.clear_ibuf [dreg:s7], $0x5FFFF;
	_ =	strace $0x90000046  }
0xb2: {  	s29 =	simm.s32 $0x9;
	_ =	strace $0x80000048  }
0xb3: {  	_ =	swait.ge [sflag:s29], $0x1  }
0xb4: {  	[sflag:s29] =	ssyncadd.s32 $0xFFFFFFFF  }
0xb5: {  	_ =	strace $0x90000048  }
0xb6: {  	_ =	sfence  }
0xb7: {  	s30 =	sld [smem:$0x0];
	_ =	sdelay $0x2  }
0xb8: {  	s31 =	sshll.u32 s1, $0xD;
	s1 =	sshrl.u32 s1, $0x2  }
0xb9: {  	s3 =	sand.u32 $0x4000, s31;
	s1 =	sadd.s32 s1, s30  }
0xba: {  	s0 =	sor.u32 s3, s0;
	s1 =	sshll.u32 s1, $0x11  }
0xbb: {  	s0 =	sor.u32 s1, s0  }
0xbc: {  	s0 =	sadd.s32 $0x8F2B, s0  }
0xbd: {  	[sflag:s0] =	ssyncadd.remote.s32 $0x1  }
0xbe: {  	_ =	sfence.sel $0xFFFF  }
0xbf: {  	[dreg:$0x0] =	wrdreg $0xFFFFFFFF;
	(pc) =	sbr.abs _section_cstart, $3  }
0xc0: {  	[dreg:$0x1] =	wrdreg $0xFFFFFFFF  }
0xc1: {  	_ =	task.clear_ibuf [dreg:s7], $0x2FFFF;
	_ =	strace $0x9FFFFFFF  }
0xc2: {  	(tm) =	ssettm $0x7FFFFFFF  }
0xc3: {  	_ =	shalt  }
tec
execute0_lowered:
.L_overlay_start_1:
0x0: {  	(tag) =	ssettag $0x1  }
0x1: {  	s0 =	rddreg [dreg:$0x0]  }
0x2: {  	s2 =	rddreg [dreg:$0x1]  }
0x3: {  	s1 =	srdreg.scid;
	s3 =	stileid.u32;
	s4 =	simm.s32 $0x0  }
0x4: {  	s11 =	simm.s32 $0x80;
	s14 =	simm.s32 $0x6400;
	s15 =	simm.s32 $0x7400  }
0x5: {  	s17 =	simm.s32 $0x8400;
	s19 =	simm.s32 $0x9400;
	s20 =	simm.s32 $0x2  }
0x6: {  	s21 =	simm.s32 $0xA400;
	s22 =	simm.s32 $0x400;
	s23 =	simm.s32 $0x8000  }
0x7: {  	s28 =	simm.s32 $0x4;
	s29 =	simm.s32 $0x8;
	s30 =	simm.s32 $0xC400  }
0x8: {  	s31 =	simm.s32 $0x5;
	s16 =	simm.s32 $0x0;
	s1 =	sand.u32 $0x1, s1  }
0x9: {  	s3 =	sshll.u32 s3, $0x1;
	[smem:$0x7FF] =	sst s4;
	s4 =	sadd.s32 $0xF42A00, s0  }
0xa: {  	s7 =	sadd.s32 $0x4000, s2;
	s8 =	sadd.s32 $0x8000, s2;
	s9 =	sadd.s32 $0xC000, s2  }
0xb: {  	s3 =	sor.u32 s1, s3;
	s1 =	ssub.s32 $0x2, s1;
	_ =	strace $0x80000047  }
.Ltmp0:
0xc: {  	v1 =	vlaneseq.u32;
	s24 =	sshll.u32 s3, $0x4;
	s5 =	sshrl.u32 s1, $0x1;
	(pc) =	sbr.rel .LBB2_1-.Ltmp0, $4  }
0xd: {  	v0 =	vshrl.u32 v1, $0x3;
	s6 =	sadd.s32 s24, s0;
	s25 =	ssub.s32 s1, s5;
	s24 =	simm.s32 $0x3  }
0xe: {  	v0 =	vmul.u32 $0x400, v0;
	s1 =	simm.s32 $0xD400;
	s26 =	sadd.s32 $0x600, s6;
	s6 =	sshll.u32 s3, $0x7  }
0xf: {  	v1 =	vand.u32 $0x7, v1;
	s0 =	smax.u32 s25, $0x1;
	s25 =	simm.s32 $0x7;
	[dreg:$0x3] =	wrdreg s26  }
0x10: {  	v1 =	vmul.u32 $0x80, v1;
	v2 =	vor.u32 $0x800, v0;
	[dreg:$0x4] =	wrdreg s0;
	s26 =	simm.s32 $0xB400;
	s0 =	simm.s32 $0x9  }
.LBB2_24:
0x11: {  	s3 =	simm.s32 $0x6  }
0x12: {  	_ =	swait.ge [sflag:s3], $0x1000  }
0x13: {  	[sflag:s3] =	ssyncset.done $0x0  }
0x14: {  	[sflag:s3] =	ssyncadd.s32 $0xFFFFF000  }
0x15: {  	_ =	swait.ge [sflag:s25], $0x1000  }
0x16: {  	[sflag:s25] =	ssyncset.done $0x0  }
0x17: {  	[sflag:s25] =	ssyncadd.s32 $0xFFFFF000  }
0x18: {  	_ =	swait.ge [sflag:s29], $0x1000  }
0x19: {  	[sflag:s29] =	ssyncset.done $0x0  }
0x1a: {  	[sflag:s29] =	ssyncadd.s32 $0xFFFFF000  }
0x1b: {  	_ =	swait.ge [sflag:s0], $0x1000  }
0x1c: {  	s16 =	sadd.s32 $0x1, s16;
	s18 =	rddreg [dreg:$0x4]  }
0x1d: {  	p0 =	sne.s32 s16, s18  }
.Ltmp1:
0x1e: {  	_ = 	snop;
	(pc) =	sbr.rel @!p0 .LBB2_25-.Ltmp1, $3  }
0x1f: {  	_ =	sdelay $0x1  }
0x20: {  	[sflag:s0] =	ssyncset.done $0x0  }
0x21: {  	[sflag:s0] =	ssyncadd.s32 $0xFFFFF000  }
.LBB2_1:
0x22: {  	s3 =	simm.s32 $0x0  }
0x23: {  	s5 =	rddreg [dreg:$0x3];
	s10 =	simm.s32 $0x1000;
	s12 =	simm.s32 $0x1  }
0x24: {  	[tilespmem:s3], [sflag:$0x1] =	stream.strided.gather [hbm4b:s5+s11], $0x6400, s10, s11, $0x38;
	[tilespmem:$0xE400] =	vst v63  }
0x25: {  	_ =	swait.ge [sflag:s12], $0x6400  }
0x26: {  	[sflag:s12] =	ssyncset.done $0x0  }
0x27: {  	[sflag:s12] =	ssyncadd.s32 $0xFFFF9C00  }
0x28: {  	[tilespmem:s14], [sflag:$0x2] =	stream.indirect.gather [hbm4b:s4+s11], $0x20, s3, s11, $0xb8;
	[tilespmem:$0xE400] =	vst v63  }
0x29: {  	_ = 	snop  }
0x2a: {  	[tilespmem:s15], [sflag:$0x3] =	stream.indirect.gather [hbm4b:s4+s11], $0x20, s11, s11, $0xb8;
	[tilespmem:$0xE400] =	vst v63  }
0x2b: {  	s13 =	simm.s32 $0x100  }
0x2c: {  	[tilespmem:s17], [sflag:$0x4] =	stream.indirect.gather [hbm4b:s4+s11], $0x20, s13, s11, $0xb8;
	[tilespmem:$0xE400] =	vst v63  }
0x2d: {  	s18 =	simm.s32 $0x180  }
0x2e: {  	[tilespmem:s19], [sflag:$0x5] =	stream.indirect.gather [hbm4b:s4+s11], $0x20, s18, s11, $0xb8;
	[tilespmem:$0xE400] =	vst v63  }
0x2f: {  	s18 =	simm.s32 $0x0  }
.LBB2_2:
0x30: {  	_ =	swait.ge [sflag:s20], $0x1000  }
0x31: {  	p0 =	seq.s32 s18, $0x0;
	[sflag:s20] =	ssyncset.done $0x0  }
0x32: {  	s3 =	simm.s32 @!p0 $0x6;
	[sflag:s20] =	ssyncadd.s32 $0xFFFFF000  }
0x33: {  	s5 =	simm.s32 $0x0;
	_ =	swait.ge @!p0 [sflag:s3], $0x1000  }
0x34: {  	v3 =	vor.u32 s5, v1;
	[sflag:s3] =	ssyncset.done @!p0 $0x0  }
0x35: {  	s12 =	simm.s32 $0x6410;
	v6 =	vand.u32 $0x3FF, v3;
	[sflag:s3] =	ssyncadd.s32 @!p0 $0xFFFFF000  }
0x36: {  	v5 =	vor.u32 v0, v6;
	v4 =	vld [tilespmem:s12+$0xFFFFFFF0];
	_ =	sdelay $0x2  }
0x37: {  	s13 =	simm.s32 $0x1  }
0x38: {  	s5 =	simm.s32 $0x6430;
	v3 =	vor.u32 s13, v1  }
0x39: {  	v3 =	vand.u32 $0x3FF, v3;
	[tilespmem:v5+s21+$0x0] =	vst.idx.msk $0xffff, v4;
	v5 =	vld [tilespmem:s5+$0xFFFFFFF0]  }
0x3a: {  	s10 =	simm.s32 $0x2;
	s13 =	simm.s32 $0x6430;
	v6 =	vor.u32 v2, v6;
	v7 =	vor.u32 v0, v3;
	s3 =	sshll.u32 s18, $0xB;
	v4 =	vld [tilespmem:s12+$0x0]  }
.LBB2_3:
0x3b: {  	_ = 	snop  }
0x3c: {  	p1 =	sne.s32 s10, $0x7F  }
.Ltmp2:
0x3d: {  	_ = 	snop;
	(pc) =	sbr.rel @p1 .LBB2_3-.Ltmp2, $4  }
0x3e: {  	_ = 	snop  }
0x3f: {  	v8 =	vor.u32 s10, v1;
	s5 =	sadd.s32 $0x20, s5;
	[tilespmem:v7+s21+$0x0] =	vst.idx.msk $0xffff, v5  }
0x40: {  	v8 =	vand.u32 $0x3FF, v8;
	v5 =	vld [tilespmem:s5+$0xFFFFFFF0];
	[tilespmem:v6+s21+$0x0] =	vst.idx.msk $0xffff, v4  }
0x41: {  	s10 =	sadd.s32 $0x1, s10;
	v7 =	vor.u32 v0, v8;
	v6 =	vor.u32 v2, v3;
	v3 =	vmov v8;
	v4 =	vld [tilespmem:s13+$0x0];
	s13 =	smov.u32 s5  }
0x42: {  	_ =	sdelay $0x3  }
0x43: {  	[tilespmem:v7+s21+$0x0] =	vst.idx.msk $0xffff, v5  }
0x44: {  	v3 =	vor.u32 v2, v3;
	v5 =	vld [tilespmem:s13+$0x0]  }
0x45: {  	p1 =	sne.s32 s18, $0x31  }
.Ltmp3:
0x46: {  	_ = 	snop;
	(pc) =	sbr.rel @p1 .LBB2_6-.Ltmp3, $4  }
0x47: {  	s5 =	sshll.u32 s18, $0x10  }
0x48: {  	s5 =	sor.u32 s6, s5;
	[tilespmem:v6+s21+$0x0] =	vst.idx.msk $0xffff, v4  }
0x49: {  	s10 =	sadd.s32 s2, s5;
	[tilespmem:v3+s21+$0x0] =	vst.idx.msk $0xffff, v5  }
0x4a: {  	[hbm4b:s10+s22] =	stream.strided.scatter [tilespmem:s21], [sflag:$0x6], $0x1000, s23, s22, $0x38;
	[tilespmem:$0xE400] =	vst v63  }
.Ltmp4:
0x4b: {  	(pc) =	sbr.rel .LBB2_7-.Ltmp4, $4  }
0x4c: {  	_ = 	snop  }
0x4d: {  	_ =	swait.ge [sflag:s24], $0x1000  }
0x4e: {  	[sflag:s24] =	ssyncset.done $0x0  }
0x4f: {  	[sflag:s24] =	ssyncadd.s32 $0xFFFFF000  }
.LBB2_6:
0x50: {  	s10 =	sshrl.u32 s3, $0x2  }
.Ltmp5:
0x51: {  	s10 =	sadd.s32 $0x200, s10;
	(pc) =	sbr.rel @p0 .LBB2_8-.Ltmp5, $4  }
0x52: {  	[tilespmem:s14], [sflag:$0x2] =	stream.indirect.gather [hbm4b:s4+s11], $0x20, s10, s11, $0xb8;
	[tilespmem:$0xE400] =	vst v63  }
0x53: {  	_ =	swait.ge [sflag:s24], $0x1000  }
0x54: {  	[sflag:s24] =	ssyncset.done $0x0  }
0x55: {  	[sflag:s24] =	ssyncadd.s32 $0xFFFFF000  }
.LBB2_7:
0x56: {  	_ =	swait.ge [sflag:s25], $0x1000  }
0x57: {  	[sflag:s25] =	ssyncset.done $0x0  }
0x58: {  	[sflag:s25] =	ssyncadd.s32 $0xFFFFF000  }
.LBB2_8:
0x59: {  	s10 =	simm.s32 $0x0  }
0x5a: {  	v3 =	vor.u32 s10, v1  }
0x5b: {  	s12 =	simm.s32 $0x7410;
	v6 =	vand.u32 $0x3FF, v3  }
0x5c: {  	v4 =	vld [tilespmem:s12+$0xFFFFFFF0];
	v5 =	vor.u32 v0, v6;
	_ =	sdelay $0x2  }
0x5d: {  	s13 =	simm.s32 $0x1  }
0x5e: {  	s10 =	simm.s32 $0x7430;
	v3 =	vor.u32 s13, v1  }
0x5f: {  	v3 =	vand.u32 $0x3FF, v3;
	[tilespmem:v5+s26+$0x0] =	vst.idx.msk $0xffff, v4;
	v5 =	vld [tilespmem:s10+$0xFFFFFFF0]  }
0x60: {  	s13 =	simm.s32 $0x2;
	v6 =	vor.u32 v2, v6;
	v7 =	vor.u32 v0, v3;
	v4 =	vld [tilespmem:s12+$0x0];
	s12 =	simm.s32 $0x7430  }
.LBB2_9:
0x61: {  	_ = 	snop  }
0x62: {  	p2 =	sne.s32 s13, $0x7F  }
.Ltmp6:
0x63: {  	_ = 	snop;
	(pc) =	sbr.rel @p2 .LBB2_9-.Ltmp6, $4  }
0x64: {  	_ = 	snop  }
0x65: {  	v8 =	vor.u32 s13, v1;
	s10 =	sadd.s32 $0x20, s10;
	[tilespmem:v7+s26+$0x0] =	vst.idx.msk $0xffff, v5  }
0x66: {  	v8 =	vand.u32 $0x3FF, v8;
	v5 =	vld [tilespmem:s10+$0xFFFFFFF0];
	[tilespmem:v6+s26+$0x0] =	vst.idx.msk $0xffff, v4  }
0x67: {  	s13 =	sadd.s32 $0x1, s13;
	v7 =	vor.u32 v0, v8;
	v6 =	vor.u32 v2, v3;
	v3 =	vmov v8;
	v4 =	vld [tilespmem:s12+$0x0];
	s12 =	smov.u32 s10  }
0x68: {  	_ =	sdelay $0x3  }
0x69: {  	[tilespmem:v7+s26+$0x0] =	vst.idx.msk $0xffff, v5  }
0x6a: {  	v3 =	vor.u32 v2, v3;
	v5 =	vld [tilespmem:s12+$0x0];
	_ =	sdelay $0x1  }
.Ltmp7:
0x6b: {  	_ = 	snop;
	(pc) =	sbr.rel @p1 .LBB2_12-.Ltmp7, $4  }
0x6c: {  	_ = 	snop  }
0x6d: {  	[tilespmem:v6+s26+$0x0] =	vst.idx.msk $0xffff, v4  }
0x6e: {  	s10 =	sadd.s32 s5, s7;
	[tilespmem:v3+s26+$0x0] =	vst.idx.msk $0xffff, v5  }
0x6f: {  	[hbm4b:s10+s22] =	stream.strided.scatter [tilespmem:s26], [sflag:$0x7], $0x1000, s23, s22, $0x38;
	[tilespmem:$0xE400] =	vst v63  }
.Ltmp8:
0x70: {  	(pc) =	sbr.rel .LBB2_13-.Ltmp8, $4  }
0x71: {  	_ = 	snop  }
0x72: {  	_ =	swait.ge [sflag:s28], $0x1000  }
0x73: {  	[sflag:s28] =	ssyncset.done $0x0  }
0x74: {  	[sflag:s28] =	ssyncadd.s32 $0xFFFFF000  }
.LBB2_12:
0x75: {  	s10 =	sshrl.u32 s3, $0x2  }
.Ltmp9:
0x76: {  	s10 =	sadd.s32 $0x280, s10;
	(pc) =	sbr.rel @p0 .LBB2_14-.Ltmp9, $4  }
0x77: {  	[tilespmem:s15], [sflag:$0x3] =	stream.indirect.gather [hbm4b:s4+s11], $0x20, s10, s11, $0xb8;
	[tilespmem:$0xE400] =	vst v63  }
0x78: {  	_ =	swait.ge [sflag:s28], $0x1000  }
0x79: {  	[sflag:s28] =	ssyncset.done $0x0  }
0x7a: {  	[sflag:s28] =	ssyncadd.s32 $0xFFFFF000  }
.LBB2_13:
0x7b: {  	_ =	swait.ge [sflag:s29], $0x1000  }
0x7c: {  	[sflag:s29] =	ssyncset.done $0x0  }
0x7d: {  	[sflag:s29] =	ssyncadd.s32 $0xFFFFF000  }
.LBB2_14:
0x7e: {  	s10 =	simm.s32 $0x0  }
0x7f: {  	v3 =	vor.u32 s10, v1  }
0x80: {  	s12 =	simm.s32 $0x8410;
	v6 =	vand.u32 $0x3FF, v3  }
0x81: {  	v4 =	vld [tilespmem:s12+$0xFFFFFFF0];
	v5 =	vor.u32 v0, v6;
	_ =	sdelay $0x2  }
0x82: {  	s13 =	simm.s32 $0x1  }
0x83: {  	s10 =	simm.s32 $0x8430;
	v3 =	vor.u32 s13, v1  }
0x84: {  	v3 =	vand.u32 $0x3FF, v3;
	[tilespmem:v5+s30+$0x0] =	vst.idx.msk $0xffff, v4;
	v5 =	vld [tilespmem:s10+$0xFFFFFFF0]  }
0x85: {  	s13 =	simm.s32 $0x2;
	v6 =	vor.u32 v2, v6;
	v7 =	vor.u32 v0, v3;
	v4 =	vld [tilespmem:s12+$0x0];
	s12 =	simm.s32 $0x8430  }
.LBB2_15:
0x86: {  	_ = 	snop  }
0x87: {  	p2 =	sne.s32 s13, $0x7F  }
.Ltmp10:
0x88: {  	_ = 	snop;
	(pc) =	sbr.rel @p2 .LBB2_15-.Ltmp10, $4  }
0x89: {  	_ = 	snop  }
0x8a: {  	v8 =	vor.u32 s13, v1;
	s10 =	sadd.s32 $0x20, s10;
	[tilespmem:v7+s30+$0x0] =	vst.idx.msk $0xffff, v5  }
0x8b: {  	v8 =	vand.u32 $0x3FF, v8;
	v5 =	vld [tilespmem:s10+$0xFFFFFFF0];
	[tilespmem:v6+s30+$0x0] =	vst.idx.msk $0xffff, v4  }
0x8c: {  	s13 =	sadd.s32 $0x1, s13;
	v7 =	vor.u32 v0, v8;
	v6 =	vor.u32 v2, v3;
	v3 =	vmov v8;
	v4 =	vld [tilespmem:s12+$0x0];
	s12 =	smov.u32 s10  }
0x8d: {  	_ =	sdelay $0x3  }
0x8e: {  	[tilespmem:v7+s30+$0x0] =	vst.idx.msk $0xffff, v5  }
0x8f: {  	v3 =	vor.u32 v2, v3;
	v5 =	vld [tilespmem:s12+$0x0];
	_ =	sdelay $0x1  }
.Ltmp11:
0x90: {  	_ = 	snop;
	(pc) =	sbr.rel @p1 .LBB2_18-.Ltmp11, $4  }
0x91: {  	_ = 	snop  }
0x92: {  	[tilespmem:v6+s30+$0x0] =	vst.idx.msk $0xffff, v4  }
0x93: {  	s10 =	sadd.s32 s5, s8;
	[tilespmem:v3+s30+$0x0] =	vst.idx.msk $0xffff, v5  }
0x94: {  	[hbm4b:s10+s22] =	stream.strided.scatter [tilespmem:s30], [sflag:$0x8], $0x1000, s23, s22, $0x38;
	[tilespmem:$0xE400] =	vst v63  }
.Ltmp12:
0x95: {  	(pc) =	sbr.rel .LBB2_19-.Ltmp12, $4  }
0x96: {  	_ = 	snop  }
0x97: {  	_ =	swait.ge [sflag:s31], $0x1000  }
0x98: {  	[sflag:s31] =	ssyncset.done $0x0  }
0x99: {  	[sflag:s31] =	ssyncadd.s32 $0xFFFFF000  }
.LBB2_18:
0x9a: {  	s10 =	sshrl.u32 s3, $0x2  }
.Ltmp13:
0x9b: {  	s10 =	sadd.s32 $0x300, s10;
	(pc) =	sbr.rel @p0 .LBB2_20-.Ltmp13, $4  }
0x9c: {  	[tilespmem:s17], [sflag:$0x4] =	stream.indirect.gather [hbm4b:s4+s11], $0x20, s10, s11, $0xb8;
	[tilespmem:$0xE400] =	vst v63  }
0x9d: {  	_ =	swait.ge [sflag:s31], $0x1000  }
0x9e: {  	[sflag:s31] =	ssyncset.done $0x0  }
0x9f: {  	[sflag:s31] =	ssyncadd.s32 $0xFFFFF000  }
.LBB2_19:
0xa0: {  	_ =	swait.ge [sflag:s0], $0x1000  }
0xa1: {  	[sflag:s0] =	ssyncset.done $0x0  }
0xa2: {  	[sflag:s0] =	ssyncadd.s32 $0xFFFFF000  }
.LBB2_20:
0xa3: {  	s10 =	simm.s32 $0x0  }
0xa4: {  	v3 =	vor.u32 s10, v1  }
0xa5: {  	s12 =	simm.s32 $0x9410;
	v6 =	vand.u32 $0x3FF, v3  }
0xa6: {  	v4 =	vld [tilespmem:s12+$0xFFFFFFF0];
	v5 =	vor.u32 v0, v6;
	_ =	sdelay $0x2  }
0xa7: {  	s13 =	simm.s32 $0x1  }
0xa8: {  	s10 =	simm.s32 $0x9430;
	v3 =	vor.u32 s13, v1  }
0xa9: {  	v3 =	vand.u32 $0x3FF, v3;
	[tilespmem:v5+s1+$0x0] =	vst.idx.msk $0xffff, v4;
	v5 =	vld [tilespmem:s10+$0xFFFFFFF0]  }
0xaa: {  	s13 =	simm.s32 $0x2;
	v6 =	vor.u32 v2, v6;
	v7 =	vor.u32 v0, v3;
	v4 =	vld [tilespmem:s12+$0x0];
	s12 =	simm.s32 $0x9430  }
.LBB2_21:
0xab: {  	_ = 	snop  }
0xac: {  	p0 =	sne.s32 s13, $0x7F  }
.Ltmp14:
0xad: {  	_ = 	snop;
	(pc) =	sbr.rel @p0 .LBB2_21-.Ltmp14, $4  }
0xae: {  	_ = 	snop  }
0xaf: {  	v8 =	vor.u32 s13, v1;
	s10 =	sadd.s32 $0x20, s10;
	[tilespmem:v7+s1+$0x0] =	vst.idx.msk $0xffff, v5  }
0xb0: {  	v8 =	vand.u32 $0x3FF, v8;
	v5 =	vld [tilespmem:s10+$0xFFFFFFF0];
	[tilespmem:v6+s1+$0x0] =	vst.idx.msk $0xffff, v4  }
0xb1: {  	s13 =	sadd.s32 $0x1, s13;
	v7 =	vor.u32 v0, v8;
	v6 =	vor.u32 v2, v3;
	v3 =	vmov v8;
	v4 =	vld [tilespmem:s12+$0x0];
	s12 =	smov.u32 s10  }
0xb2: {  	_ =	sdelay $0x3  }
0xb3: {  	[tilespmem:v7+s1+$0x0] =	vst.idx.msk $0xffff, v5  }
0xb4: {  	v3 =	vor.u32 v2, v3;
	v5 =	vld [tilespmem:s12+$0x0]  }
0xb5: {  	p0 =	seq.s32 s18, $0x31  }
.Ltmp15:
0xb6: {  	_ = 	snop;
	(pc) =	sbr.rel @p0 .LBB2_24-.Ltmp15, $4  }
0xb7: {  	_ = 	snop  }
0xb8: {  	[tilespmem:v6+s1+$0x0] =	vst.idx.msk $0xffff, v4  }
0xb9: {  	s5 =	sadd.s32 s5, s9;
	[tilespmem:v3+s1+$0x0] =	vst.idx.msk $0xffff, v5  }
0xba: {  	[hbm4b:s5+s22] =	stream.strided.scatter [tilespmem:s1], [sflag:$0x9], $0x1000, s23, s22, $0x38;
	[tilespmem:$0xE400] =	vst v63  }
.Ltmp16:
0xbb: {  	(pc) =	sbr.rel .LBB2_2-.Ltmp16, $4  }
0xbc: {  	_ = 	snop  }
0xbd: {  	s3 =	sshrl.u32 s3, $0x2  }
0xbe: {  	s18 =	sadd.s32 $0x1, s18;
	s3 =	sadd.s32 $0x380, s3  }
0xbf: {  	[tilespmem:s19], [sflag:$0x5] =	stream.indirect.gather [hbm4b:s4+s11], $0x20, s3, s11, $0xb8;
	[tilespmem:$0xE400] =	vst v63  }
.LBB2_25:
0xc0: {  	_ =	sfence.sel $0x180000  }
0xc1: {  	[bflag:$0x0] =	sbarrier.arrive $0xFFFF  }
0xc2: {  	_ =	strace $0x90000047  }
0xc3: {  	s0 =	stileid.u32;
	[bflag:$0x2] =	sbarrier.arrive $0xFFFF  }
0xc4: {  	p0 =	sne.s32 s0, $0x0;
	s0 =	rddreg [dreg:$0x2]  }
0xc5: {  	s0 =	sadd.s32 @!p0 $0x100000, s0  }
0xc6: {  	[sflag:s0] =	ssyncadd.tile.s32 @!p0 $0x1;
	_ =	shalt  }
.Lfunc_end2:
_tile_overlayer_lowered:
.L_overlay_start_2:
0xc7: {  	(tag) =	ssettag $0x2  }
0xc8: {  	s0 =	rddreg [dreg:$0x0];
	s2 =	stileid.u32  }
0xc9: {  	s1 =	rddreg [dreg:$0x1];
	p0 =	sne.s32 s2, $0x0  }
0xca: {  	s3 =	rddreg [dreg:$0x2];
	[bflag:$0x3] =	sbarrier.arrive $0xFFFF;
	s2 =	simm.s32 @!p0 $0x1C0A  }
0xcb: {  	[timem:s3], [sflag:s2] =	dma.local @!p0 [hbm:s0], s1  }
0xcc: {  	s0 =	simm.s32 @!p0 $0xA  }
0xcd: {  	_ =	swait.ge @!p0 [sflag:s0], s1  }
0xce: {  	s1 =	ssub.s32 @!p0 $0x0, s1;
	[sflag:s0] =	ssyncset.done @!p0 $0x0  }
0xcf: {  	[sflag:s0] =	ssyncadd.s32 @!p0 s1  }
0xd0: {  	[bflag:$0x3] =	sbarrier.arrive $0xFFFF  }
0xd1: {  	_ =	shalt  }

</sc_bundles>
